<compile_context>
chip_gen: v7x
topology: tpu7x:2x2x1
jax: 0.10.2.dev20260603
libtpu: 0.0.44.dev20260713+nightly
codegen_flags: <defaults>
</compile_context>

<pallas_src>
import functools

import jax
import jax.numpy as jnp
from jax import lax
from jax.experimental import pallas as pl
from jax.experimental.pallas import tpu as pltpu
from jax.experimental.pallas import tpu_sc as plsc

B = 16384
T = 50
D = 64
NC = 2
NS = 16
NW = NC * NS
RPW = B // NW
CHUNK = 16
NCHUNK = RPW // CHUNK


def _sc_word_pool(news_flat, word_table):
  mesh = plsc.VectorSubcoreMesh(core_axis_name="c", subcore_axis_name="s")

  buf = lambda shape, dtype: [pltpu.VMEM(shape, dtype)] * 2

  @functools.partial(
      pl.kernel,
      mesh=mesh,
      out_type=jax.ShapeDtypeStruct((B, D), jnp.float32),
      compiler_params=pltpu.CompilerParams(use_tc_tiling_on_sc=False),
      scratch_types=[
          buf((CHUNK * T,), jnp.int32),
          buf((CHUNK * T, D), jnp.float32),
          buf((CHUNK, D), jnp.float32),
          [pltpu.SemaphoreType.DMA] * 2,
          [pltpu.SemaphoreType.DMA] * 2,
      ],
  )
  def body(news_r, wtab_r, wvec_r, idx_v, rows_v, acc_v, isem, gsem):
    wid = lax.axis_index("s") * NC + lax.axis_index("c")
    base = wid * RPW

    def start_idx(j, p):
      off = (base + j * CHUNK) * T
      pltpu.async_copy(news_r.at[pl.ds(off, CHUNK * T)], idx_v[p], isem[p])

    def wait_idx(p):
      pltpu.make_async_copy(news_r.at[pl.ds(0, CHUNK * T)],
                            idx_v[p], isem[p]).wait()

    def fire_gather(p):
      pltpu.async_copy(wtab_r.at[idx_v[p]], rows_v[p], gsem[p])

    def wait_gather(p):
      pltpu.make_async_copy(wtab_r.at[idx_v[p]], rows_v[p], gsem[p]).wait()

    def compute_out(j, p):
      rows = rows_v[p]
      acc = acc_v[p]

      def row_body(r, rcarry):
        def t_body(t, accs):
          a0, a1, a2, a3 = accs
          src = r * T + t
          a0 = a0 + rows[src, 0:16]
          a1 = a1 + rows[src, 16:32]
          a2 = a2 + rows[src, 32:48]
          a3 = a3 + rows[src, 48:64]
          return (a0, a1, a2, a3)

        z = jnp.zeros((16,), jnp.float32)
        a0, a1, a2, a3 = lax.fori_loop(0, T, t_body, (z, z, z, z), unroll=10)
        acc[r, 0:16] = a0
        acc[r, 16:32] = a1
        acc[r, 32:48] = a2
        acc[r, 48:64] = a3
        return rcarry

      lax.fori_loop(0, CHUNK, row_body, 0)
      pltpu.sync_copy(acc, wvec_r.at[pl.ds(base + j * CHUNK, CHUNK)])

    start_idx(0, 0)
    wait_idx(0)
    fire_gather(0)
    start_idx(1, 1)

    def pair_body(jj, carry):
      j0 = 2 * jj
      j1 = j0 + 1
      wait_idx(1)
      fire_gather(1)
      wait_gather(0)

      @pl.when(j0 + 2 < NCHUNK)
      def _():
        start_idx(j0 + 2, 0)

      compute_out(j0, 0)

      @pl.when(j0 + 2 < NCHUNK)
      def _():
        wait_idx(0)
        fire_gather(0)

      wait_gather(1)

      @pl.when(j1 + 2 < NCHUNK)
      def _():
        start_idx(j1 + 2, 1)

      compute_out(j1, 1)
      return carry

    lax.fori_loop(0, NCHUNK // 2, pair_body, 0)

  return body(news_flat, word_table)


def _sc_catent(dep, cat_idx, ent_idx, cat_table, ent_table):
  mesh = plsc.VectorSubcoreMesh(core_axis_name="c", subcore_axis_name="s")

  @functools.partial(
      pl.kernel,
      mesh=mesh,
      out_type=(
          jax.ShapeDtypeStruct((B, D), jnp.float32),
          jax.ShapeDtypeStruct((B, D), jnp.float32),
      ),
      compiler_params=pltpu.CompilerParams(use_tc_tiling_on_sc=False),
      scratch_types=[
          pltpu.VMEM((RPW,), jnp.int32),
          pltpu.VMEM((RPW,), jnp.int32),
          pltpu.VMEM((RPW, D), jnp.float32),
          pltpu.VMEM((RPW, D), jnp.float32),
          pltpu.SemaphoreType.DMA,
          pltpu.SemaphoreType.DMA,
      ],
  )
  def body(dep_r, cat_r, ent_r, ctab_r, etab_r, cvec_r, evec_r,
           cidx_v, eidx_v, crows_v, erows_v, isem, gsem):
    del dep_r
    wid = lax.axis_index("s") * NC + lax.axis_index("c")
    base = wid * RPW
    pltpu.async_copy(cat_r.at[pl.ds(base, RPW)], cidx_v, isem)
    pltpu.async_copy(ent_r.at[pl.ds(base, RPW)], eidx_v, isem)
    pltpu.make_async_copy(cat_r.at[pl.ds(0, RPW)], cidx_v, isem).wait()
    pltpu.make_async_copy(ent_r.at[pl.ds(0, RPW)], eidx_v, isem).wait()
    pltpu.async_copy(ctab_r.at[cidx_v], crows_v, gsem)
    pltpu.async_copy(etab_r.at[eidx_v], erows_v, gsem)
    pltpu.make_async_copy(ctab_r.at[cidx_v], crows_v, gsem).wait()
    pltpu.make_async_copy(etab_r.at[eidx_v], erows_v, gsem).wait()
    pltpu.sync_copy(crows_v, cvec_r.at[pl.ds(base, RPW)])
    pltpu.sync_copy(erows_v, evec_r.at[pl.ds(base, RPW)])

  return body(dep, cat_idx, ent_idx, cat_table, ent_table)


TC_BLK = 2048


def _tc_fuse(wsum, news, cvec, evec, W, b):

  def body(ws_r, news_r, cv_r, ev_r, w_r, b_r, out_r):
    mask = (news_r[...] != 0).astype(jnp.float32)
    cnt = jnp.sum(mask, axis=1, keepdims=True)
    wv = ws_r[...] / (cnt + 1e-08)
    dot = functools.partial(
        lax.dot_general,
        dimension_numbers=(((1,), (0,)), ((), ())),
        precision=lax.Precision.DEFAULT,
        preferred_element_type=jnp.float32,
    )
    acc = dot(wv, w_r[0:D, :])
    acc = acc + dot(cv_r[...], w_r[D:2 * D, :])
    acc = acc + dot(ev_r[...], w_r[2 * D:3 * D, :])
    out_r[...] = jnp.maximum(acc + b_r[...], 0.0)

  return pl.pallas_call(
      body,
      grid=(B // TC_BLK,),
      in_specs=[
          pl.BlockSpec((TC_BLK, D), lambda i: (i, 0)),
          pl.BlockSpec((TC_BLK, T), lambda i: (i, 0)),
          pl.BlockSpec((TC_BLK, D), lambda i: (i, 0)),
          pl.BlockSpec((TC_BLK, D), lambda i: (i, 0)),
          pl.BlockSpec((3 * D, D), lambda i: (0, 0)),
          pl.BlockSpec((1, D), lambda i: (0, 0)),
      ],
      out_specs=pl.BlockSpec((TC_BLK, D), lambda i: (i, 0)),
      out_shape=jax.ShapeDtypeStruct((B, D), jnp.float32),
  )(wsum, news, cvec, evec, W, b.reshape(1, D))


def kernel(news_input, cat_input, ent_input, word_table, cat_table, ent_table, W, b):
  news_input = news_input.astype(jnp.int32)
  news_flat = news_input.reshape(-1)
  cat_input = cat_input.astype(jnp.int32)
  ent_input = ent_input.astype(jnp.int32)
  wsum = _sc_word_pool(news_flat, word_table)
  cvec, evec = _sc_catent(wsum, cat_input, ent_input, cat_table, ent_table)
  return _tc_fuse(wsum, news_input, cvec, evec, W, b)

# --- scband reference (transcript-rebuilt; emitter-appended) ---
"""Pipeline reference for scband-news-encoder-87213605913213 (READ-ONLY COPY).

The authoritative reference and input builder live on the scoring server;
editing this copy changes nothing except your own understanding.
"""

import jax, jax.numpy as jnp
import numpy as np

VOCAB_SIZE = 100000
CAT_SIZE = 100
ENT_SIZE = 100000
EMB_DIM = 64
B = 16384
T = 50


def setup_inputs(seed: int = 0) -> dict:
    key = jax.random.key(seed)
    k1, k2, k3, k4, k5, k6, k7, k8 = jax.random.split(key, 8)
    news_input = jax.random.randint(k1, (B, T), 0, VOCAB_SIZE + 1000, dtype=jnp.int64 if jax.config.jax_enable_x64 else jnp.int32)
    cat_input = jax.random.randint(k2, (B,), 0, CAT_SIZE + 1, dtype=jnp.int64 if jax.config.jax_enable_x64 else jnp.int32)
    ent_input = jax.random.randint(k3, (B,), 0, ENT_SIZE + 1, dtype=jnp.int64 if jax.config.jax_enable_x64 else jnp.int32)
    word_table = jax.random.normal(k4, (VOCAB_SIZE + 1000, EMB_DIM), dtype=jnp.float32) * 0.02
    word_table = word_table.at[0].set(0.0)  # padding_idx=0
    cat_table = jax.random.normal(k5, (CAT_SIZE + 1, EMB_DIM), dtype=jnp.float32) * 0.02
    ent_table = jax.random.normal(k6, (ENT_SIZE + 1, EMB_DIM), dtype=jnp.float32) * 0.02
    W = jax.random.normal(k7, (EMB_DIM * 3, EMB_DIM), dtype=jnp.float32) * (1.0 / np.sqrt(EMB_DIM * 3))
    b = jax.random.normal(k8, (EMB_DIM,), dtype=jnp.float32) * 0.01
    return {"news_input": news_input, "cat_input": cat_input, "ent_input": ent_input,
            "word_table": word_table, "cat_table": cat_table, "ent_table": ent_table,
            "W": W, "b": b}


def reference(news_input, cat_input, ent_input, word_table, cat_table, ent_table, W, b):
    # 2-D case of NewsEncoder.forward
    word_vec = jnp.take(word_table, news_input, axis=0)          # [B, T, D] gather
    mask = (news_input != 0)[..., None].astype(word_vec.dtype)    # [B, T, 1]
    word_vec = (word_vec * mask).sum(axis=1) / (mask.sum(axis=1) + 1e-08)  # masked mean pool
    cat_vec = jnp.take(cat_table, cat_input, axis=0)              # [B, D]
    ent_vec = jnp.take(ent_table, ent_input, axis=0)              # [B, D]
    fused = jnp.concatenate([word_vec, cat_vec, ent_vec], axis=-1)  # [B, 3D]
    return jax.nn.relu(fused @ W + b)                             # [B, D]

if __name__ == "__main__":
    import jax
    _d = setup_inputs()
    print(jax.jit(kernel)(*tuple(_d.values())))

</pallas_src>

<mosaic_0001>
#map = affine_map<(d0, d1) -> (0)>
#map1 = affine_map<(d0, d1) -> (0, 0)>
module attributes {stable_mosaic.version = 14 : i64} {
  func.func @body(%arg0: i32, %arg1: i32, %arg2: memref<819200xi32, #tpu.memory_space<hbm>>, %arg3: memref<101000x64xf32, #tpu.memory_space<hbm>>, %arg4: memref<16384x64xf32, #tpu.memory_space<hbm>>, %arg5: memref<800xi32, #tpu.memory_space<vmem>>, %arg6: memref<800xi32, #tpu.memory_space<vmem>>, %arg7: memref<800x64xf32, #tpu.memory_space<vmem>>, %arg8: memref<800x64xf32, #tpu.memory_space<vmem>>, %arg9: memref<16x64xf32, #tpu.memory_space<vmem>>, %arg10: memref<16x64xf32, #tpu.memory_space<vmem>>, %arg11: memref<!tpu.dma_semaphore, #tpu.memory_space<semaphore_mem>>, %arg12: memref<!tpu.dma_semaphore, #tpu.memory_space<semaphore_mem>>, %arg13: memref<!tpu.dma_semaphore, #tpu.memory_space<semaphore_mem>>, %arg14: memref<!tpu.dma_semaphore, #tpu.memory_space<semaphore_mem>>) attributes {dimension_semantics = [#tpu.dimension_semantics<core_parallel>, #tpu.dimension_semantics<subcore_parallel>], iteration_bounds = array<i64: 2, 16>, scalar_prefetch = 0 : i64, scratch_operands = 10 : i64, tpu.core_type = #tpu.core_type<sc_vector_subcore>, window_params = [{transform_indices = #map}, {transform_indices = #map1}, {transform_indices = #map1}]} {
    %mul3A = arith.constant 2 : i32
    %mul3A_0 = arith.muli %arg1, %mul3A : i32
    %add3A = arith.addi %mul3A_0, %arg0 : i32
    %mul3A_1 = arith.constant 512 : i32
    %mul3A_2 = arith.muli %add3A, %mul3A_1 : i32
    %add3A_3 = arith.constant 0 : i32
    %add3A_4 = arith.addi %mul3A_2, %add3A_3 : i32
    %mul3A_5 = arith.constant 50 : i32
    %mul3A_6 = arith.muli %add3A_4, %mul3A_5 : i32
    %dma_start3A = tpu.memref_slice %arg2[%mul3A_6] : memref<819200xi32, #tpu.memory_space<hbm>> -> memref<800xi32, #tpu.memory_space<hbm>>
    %dma_start3A_7 = tpu.memref_slice %arg2[%mul3A_6] : memref<819200xi32, #tpu.memory_space<hbm>> -> memref<800xi32, #tpu.memory_space<hbm>>
    tpu.enqueue_dma source(%dma_start3A_7 : memref<800xi32, #tpu.memory_space<hbm>>) target(%arg5 : memref<800xi32, #tpu.memory_space<vmem>>) target_semaphore(%arg11 : memref<!tpu.dma_semaphore, #tpu.memory_space<semaphore_mem>>)
    %dma_wait3A = arith.constant 0 : i32
    %dma_wait3A_8 = tpu.memref_slice %arg2[%dma_wait3A] : memref<819200xi32, #tpu.memory_space<hbm>> -> memref<800xi32, #tpu.memory_space<hbm>>
    %dma_wait3A_9 = arith.constant 0 : i32
    %dma_wait3A_10 = tpu.memref_slice %arg2[%dma_wait3A_9] : memref<819200xi32, #tpu.memory_space<hbm>> -> memref<800xi32, #tpu.memory_space<hbm>>
    tpu.wait_dma2 semaphore(%arg11 : memref<!tpu.dma_semaphore, #tpu.memory_space<semaphore_mem>>) src(%dma_wait3A_10 : memref<800xi32, #tpu.memory_space<hbm>>) dst(%arg5 : memref<800xi32, #tpu.memory_space<vmem>>)
    %dma_start3A_11 = arith.constant 0 : i32
    %dma_start3A_12 = arith.constant 0 : i32
    %dma_start3A_13 = tpu.memref_slice %arg3[%dma_start3A_11, %dma_start3A_12] : memref<101000x64xf32, #tpu.memory_space<hbm>> -> memref<101000x64xf32, #tpu.memory_space<hbm>>
    tpu.enqueue_indirect_dma source(%dma_start3A_13 : memref<101000x64xf32, #tpu.memory_space<hbm>>) target(%arg7 : memref<800x64xf32, #tpu.memory_space<vmem>>) offsets(%arg5 : memref<800xi32, #tpu.memory_space<vmem>>) semaphore(%arg13 : memref<!tpu.dma_semaphore, #tpu.memory_space<semaphore_mem>>)
    %add3A_14 = arith.constant 16 : i32
    %add3A_15 = arith.addi %mul3A_2, %add3A_14 : i32
    %mul3A_16 = arith.constant 50 : i32
    %mul3A_17 = arith.muli %add3A_15, %mul3A_16 : i32
    %dma_start3A_18 = tpu.memref_slice %arg2[%mul3A_17] : memref<819200xi32, #tpu.memory_space<hbm>> -> memref<800xi32, #tpu.memory_space<hbm>>
    %dma_start3A_19 = tpu.memref_slice %arg2[%mul3A_17] : memref<819200xi32, #tpu.memory_space<hbm>> -> memref<800xi32, #tpu.memory_space<hbm>>
    tpu.enqueue_dma source(%dma_start3A_19 : memref<800xi32, #tpu.memory_space<hbm>>) target(%arg6 : memref<800xi32, #tpu.memory_space<vmem>>) target_semaphore(%arg12 : memref<!tpu.dma_semaphore, #tpu.memory_space<semaphore_mem>>)
    %scan3A = arith.constant 0 : i32
    %scan3A_20 = arith.constant 0 : i32
    %scan3A_21 = arith.constant 16 : i32
    %scan3A_22 = arith.addi %scan3A_20, %scan3A_21 : i32
    %scan3A_23 = arith.constant 1 : i32
    scf.for %scan3A_25 = %scan3A_20 to %scan3A_22 step %scan3A_23  : i32 {
      %mul3A_26 = arith.constant 2 : i32
      %mul3A_27 = arith.muli %mul3A_26, %scan3A_25 : i32
      %add3A_28 = arith.constant 1 : i32
      %add3A_29 = arith.addi %mul3A_27, %add3A_28 : i32
      %dma_wait3A_30 = arith.constant 0 : i32
      %dma_wait3A_31 = tpu.memref_slice %arg2[%dma_wait3A_30] : memref<819200xi32, #tpu.memory_space<hbm>> -> memref<800xi32, #tpu.memory_space<hbm>>
      %dma_wait3A_32 = arith.constant 0 : i32
      %dma_wait3A_33 = tpu.memref_slice %arg2[%dma_wait3A_32] : memref<819200xi32, #tpu.memory_space<hbm>> -> memref<800xi32, #tpu.memory_space<hbm>>
      tpu.wait_dma2 semaphore(%arg12 : memref<!tpu.dma_semaphore, #tpu.memory_space<semaphore_mem>>) src(%dma_wait3A_33 : memref<800xi32, #tpu.memory_space<hbm>>) dst(%arg6 : memref<800xi32, #tpu.memory_space<vmem>>)
      %dma_start3A_34 = arith.constant 0 : i32
      %dma_start3A_35 = arith.constant 0 : i32
      %dma_start3A_36 = tpu.memref_slice %arg3[%dma_start3A_34, %dma_start3A_35] : memref<101000x64xf32, #tpu.memory_space<hbm>> -> memref<101000x64xf32, #tpu.memory_space<hbm>>
      tpu.enqueue_indirect_dma source(%dma_start3A_36 : memref<101000x64xf32, #tpu.memory_space<hbm>>) target(%arg8 : memref<800x64xf32, #tpu.memory_space<vmem>>) offsets(%arg6 : memref<800xi32, #tpu.memory_space<vmem>>) semaphore(%arg14 : memref<!tpu.dma_semaphore, #tpu.memory_space<semaphore_mem>>)
      %dma_wait3A_37 = arith.constant 0 : i32
      %dma_wait3A_38 = arith.constant 0 : i32
      %dma_wait3A_39 = tpu.memref_slice %arg3[%dma_wait3A_37, %dma_wait3A_38] : memref<101000x64xf32, #tpu.memory_space<hbm>> -> memref<101000x64xf32, #tpu.memory_space<hbm>>
      tpu.wait_indirect_dma semaphore(%arg13 : memref<!tpu.dma_semaphore, #tpu.memory_space<semaphore_mem>>) src(%dma_wait3A_39 : memref<101000x64xf32, #tpu.memory_space<hbm>>) dst(%arg7 : memref<800x64xf32, #tpu.memory_space<vmem>>)
      %add3A_40 = arith.constant 2 : i32
      %add3A_41 = arith.addi %mul3A_27, %add3A_40 : i32
      %lt3A = arith.constant 32 : i32
      %lt3A_42 = arith.cmpi slt, %add3A_41, %lt3A : i32
      %convert_element_type3A = arith.extui %lt3A_42 : i1 to i32
      %cond3A = arith.constant 0 : i32
      %cond3A_43 = arith.cmpi ne, %convert_element_type3A, %cond3A : i32
      scf.if %cond3A_43 {
        %add3A_79 = arith.constant 2 : i32
        %add3A_80 = arith.addi %mul3A_27, %add3A_79 : i32
        %mul3A_81 = arith.constant 16 : i32
        %mul3A_82 = arith.muli %add3A_80, %mul3A_81 : i32
        %add3A_83 = arith.addi %mul3A_2, %mul3A_82 : i32
        %mul3A_84 = arith.constant 50 : i32
        %mul3A_85 = arith.muli %add3A_83, %mul3A_84 : i32
        %dma_start3A_86 = tpu.memref_slice %arg2[%mul3A_85] : memref<819200xi32, #tpu.memory_space<hbm>> -> memref<800xi32, #tpu.memory_space<hbm>>
        %dma_start3A_87 = tpu.memref_slice %arg2[%mul3A_85] : memref<819200xi32, #tpu.memory_space<hbm>> -> memref<800xi32, #tpu.memory_space<hbm>>
        tpu.enqueue_dma source(%dma_start3A_87 : memref<800xi32, #tpu.memory_space<hbm>>) target(%arg5 : memref<800xi32, #tpu.memory_space<vmem>>) target_semaphore(%arg11 : memref<!tpu.dma_semaphore, #tpu.memory_space<semaphore_mem>>)
      } else {
      }
      %scan3A_44 = arith.constant 0 : i32
      %scan3A_45 = arith.constant 0 : i32
      %scan3A_46 = arith.constant 16 : i32
      %scan3A_47 = arith.addi %scan3A_45, %scan3A_46 : i32
      %scan3A_48 = arith.constant 1 : i32
      scf.for %scan3A_79 = %scan3A_45 to %scan3A_47 step %scan3A_48  : i32 {
        %broadcast_in_dim3A = arith.constant 0.000000e+00 : f32
        %broadcast_in_dim3A_80 = vector.broadcast %broadcast_in_dim3A : f32 to vector<16xf32>
        %scan3A_81 = arith.constant 0 : i32
        %scan3A_82 = arith.constant 50 : i32
        %scan3A_83 = arith.addi %scan3A_81, %scan3A_82 : i32
        %scan3A_84 = arith.constant 10 : i32
        %scan3A_85:4 = scf.for %scan3A_106 = %scan3A_81 to %scan3A_83 step %scan3A_84 iter_args(%scan3A_107 = %broadcast_in_dim3A_80, %scan3A_108 = %broadcast_in_dim3A_80, %scan3A_109 = %broadcast_in_dim3A_80, %scan3A_110 = %broadcast_in_dim3A_80) -> (vector<16xf32>, vector<16xf32>, vector<16xf32>, vector<16xf32>)  : i32 {
          %mul3A_111 = arith.constant 50 : i32
          %mul3A_112 = arith.muli %scan3A_79, %mul3A_111 : i32
          %add3A_113 = arith.addi %mul3A_112, %scan3A_106 : i32
          %get3A = arith.index_cast %add3A_113 : i32 to index
          %get3A_114 = arith.constant 0 : index
          %get3A_115 = tpu.vector_load %arg7[%get3A, %get3A_114] {strides = array<i32>} : memref<800x64xf32, #tpu.memory_space<vmem>>, vector<1x16xf32>,
          %get3A_116 = vector.shape_cast %get3A_115 : vector<1x16xf32> to vector<16xf32>
          %add3A_117 = arith.addf %scan3A_107, %get3A_116 : vector<16xf32>
          %get3A_118 = arith.index_cast %add3A_113 : i32 to index
          %get3A_119 = arith.constant 16 : index
          %get3A_120 = tpu.vector_load %arg7[%get3A_118, %get3A_119] {strides = array<i32>} : memref<800x64xf32, #tpu.memory_space<vmem>>, vector<1x16xf32>,
          %get3A_121 = vector.shape_cast %get3A_120 : vector<1x16xf32> to vector<16xf32>
          %add3A_122 = arith.addf %scan3A_108, %get3A_121 : vector<16xf32>
          %get3A_123 = arith.index_cast %add3A_113 : i32 to index
          %get3A_124 = arith.constant 32 : index
          %get3A_125 = tpu.vector_load %arg7[%get3A_123, %get3A_124] {strides = array<i32>} : memref<800x64xf32, #tpu.memory_space<vmem>>, vector<1x16xf32>,
          %get3A_126 = vector.shape_cast %get3A_125 : vector<1x16xf32> to vector<16xf32>
          %add3A_127 = arith.addf %scan3A_109, %get3A_126 : vector<16xf32>
          %get3A_128 = arith.index_cast %add3A_113 : i32 to index
          %get3A_129 = arith.constant 48 : index
          %get3A_130 = tpu.vector_load %arg7[%get3A_128, %get3A_129] {strides = array<i32>} : memref<800x64xf32, #tpu.memory_space<vmem>>, vector<1x16xf32>,
          %get3A_131 = vector.shape_cast %get3A_130 : vector<1x16xf32> to vector<16xf32>
          %add3A_132 = arith.addf %scan3A_110, %get3A_131 : vector<16xf32>
          %scan3A_133 = arith.constant 1 : i32
          %scan3A_134 = arith.addi %scan3A_106, %scan3A_133 : i32
          %mul3A_135 = arith.constant 50 : i32
          %mul3A_136 = arith.muli %scan3A_79, %mul3A_135 : i32
          %add3A_137 = arith.addi %mul3A_136, %scan3A_134 : i32
          %get3A_138 = arith.index_cast %add3A_137 : i32 to index
          %get3A_139 = arith.constant 0 : index
          %get3A_140 = tpu.vector_load %arg7[%get3A_138, %get3A_139] {strides = array<i32>} : memref<800x64xf32, #tpu.memory_space<vmem>>, vector<1x16xf32>,
          %get3A_141 = vector.shape_cast %get3A_140 : vector<1x16xf32> to vector<16xf32>
          %add3A_142 = arith.addf %add3A_117, %get3A_141 : vector<16xf32>
          %get3A_143 = arith.index_cast %add3A_137 : i32 to index
          %get3A_144 = arith.constant 16 : index
          %get3A_145 = tpu.vector_load %arg7[%get3A_143, %get3A_144] {strides = array<i32>} : memref<800x64xf32, #tpu.memory_space<vmem>>, vector<1x16xf32>,
          %get3A_146 = vector.shape_cast %get3A_145 : vector<1x16xf32> to vector<16xf32>
          %add3A_147 = arith.addf %add3A_122, %get3A_146 : vector<16xf32>
          %get3A_148 = arith.index_cast %add3A_137 : i32 to index
          %get3A_149 = arith.constant 32 : index
          %get3A_150 = tpu.vector_load %arg7[%get3A_148, %get3A_149] {strides = array<i32>} : memref<800x64xf32, #tpu.memory_space<vmem>>, vector<1x16xf32>,
          %get3A_151 = vector.shape_cast %get3A_150 : vector<1x16xf32> to vector<16xf32>
          %add3A_152 = arith.addf %add3A_127, %get3A_151 : vector<16xf32>
          %get3A_153 = arith.index_cast %add3A_137 : i32 to index
          %get3A_154 = arith.constant 48 : index
          %get3A_155 = tpu.vector_load %arg7[%get3A_153, %get3A_154] {strides = array<i32>} : memref<800x64xf32, #tpu.memory_space<vmem>>, vector<1x16xf32>,
          %get3A_156 = vector.shape_cast %get3A_155 : vector<1x16xf32> to vector<16xf32>
          %add3A_157 = arith.addf %add3A_132, %get3A_156 : vector<16xf32>
          %scan3A_158 = arith.constant 2 : i32
          %scan3A_159 = arith.addi %scan3A_106, %scan3A_158 : i32
          %mul3A_160 = arith.constant 50 : i32
          %mul3A_161 = arith.muli %scan3A_79, %mul3A_160 : i32
          %add3A_162 = arith.addi %mul3A_161, %scan3A_159 : i32
          %get3A_163 = arith.index_cast %add3A_162 : i32 to index
          %get3A_164 = arith.constant 0 : index
          %get3A_165 = tpu.vector_load %arg7[%get3A_163, %get3A_164] {strides = array<i32>} : memref<800x64xf32, #tpu.memory_space<vmem>>, vector<1x16xf32>,
          %get3A_166 = vector.shape_cast %get3A_165 : vector<1x16xf32> to vector<16xf32>
          %add3A_167 = arith.addf %add3A_142, %get3A_166 : vector<16xf32>
          %get3A_168 = arith.index_cast %add3A_162 : i32 to index
          %get3A_169 = arith.constant 16 : index
          %get3A_170 = tpu.vector_load %arg7[%get3A_168, %get3A_169] {strides = array<i32>} : memref<800x64xf32, #tpu.memory_space<vmem>>, vector<1x16xf32>,
          %get3A_171 = vector.shape_cast %get3A_170 : vector<1x16xf32> to vector<16xf32>
          %add3A_172 = arith.addf %add3A_147, %get3A_171 : vector<16xf32>
          %get3A_173 = arith.index_cast %add3A_162 : i32 to index
          %get3A_174 = arith.constant 32 : index
          %get3A_175 = tpu.vector_load %arg7[%get3A_173, %get3A_174] {strides = array<i32>} : memref<800x64xf32, #tpu.memory_space<vmem>>, vector<1x16xf32>,
          %get3A_176 = vector.shape_cast %get3A_175 : vector<1x16xf32> to vector<16xf32>
          %add3A_177 = arith.addf %add3A_152, %get3A_176 : vector<16xf32>
          %get3A_178 = arith.index_cast %add3A_162 : i32 to index
          %get3A_179 = arith.constant 48 : index
          %get3A_180 = tpu.vector_load %arg7[%get3A_178, %get3A_179] {strides = array<i32>} : memref<800x64xf32, #tpu.memory_space<vmem>>, vector<1x16xf32>,
          %get3A_181 = vector.shape_cast %get3A_180 : vector<1x16xf32> to vector<16xf32>
          %add3A_182 = arith.addf %add3A_157, %get3A_181 : vector<16xf32>
          %scan3A_183 = arith.constant 3 : i32
          %scan3A_184 = arith.addi %scan3A_106, %scan3A_183 : i32
          %mul3A_185 = arith.constant 50 : i32
          %mul3A_186 = arith.muli %scan3A_79, %mul3A_185 : i32
          %add3A_187 = arith.addi %mul3A_186, %scan3A_184 : i32
          %get3A_188 = arith.index_cast %add3A_187 : i32 to index
          %get3A_189 = arith.constant 0 : index
          %get3A_190 = tpu.vector_load %arg7[%get3A_188, %get3A_189] {strides = array<i32>} : memref<800x64xf32, #tpu.memory_space<vmem>>, vector<1x16xf32>,
          %get3A_191 = vector.shape_cast %get3A_190 : vector<1x16xf32> to vector<16xf32>
          %add3A_192 = arith.addf %add3A_167, %get3A_191 : vector<16xf32>
          %get3A_193 = arith.index_cast %add3A_187 : i32 to index
          %get3A_194 = arith.constant 16 : index
          %get3A_195 = tpu.vector_load %arg7[%get3A_193, %get3A_194] {strides = array<i32>} : memref<800x64xf32, #tpu.memory_space<vmem>>, vector<1x16xf32>,
          %get3A_196 = vector.shape_cast %get3A_195 : vector<1x16xf32> to vector<16xf32>
          %add3A_197 = arith.addf %add3A_172, %get3A_196 : vector<16xf32>
          %get3A_198 = arith.index_cast %add3A_187 : i32 to index
          %get3A_199 = arith.constant 32 : index
          %get3A_200 = tpu.vector_load %arg7[%get3A_198, %get3A_199] {strides = array<i32>} : memref<800x64xf32, #tpu.memory_space<vmem>>, vector<1x16xf32>,
          %get3A_201 = vector.shape_cast %get3A_200 : vector<1x16xf32> to vector<16xf32>
          %add3A_202 = arith.addf %add3A_177, %get3A_201 : vector<16xf32>
          %get3A_203 = arith.index_cast %add3A_187 : i32 to index
          %get3A_204 = arith.constant 48 : index
          %get3A_205 = tpu.vector_load %arg7[%get3A_203, %get3A_204] {strides = array<i32>} : memref<800x64xf32, #tpu.memory_space<vmem>>, vector<1x16xf32>,
          %get3A_206 = vector.shape_cast %get3A_205 : vector<1x16xf32> to vector<16xf32>
          %add3A_207 = arith.addf %add3A_182, %get3A_206 : vector<16xf32>
          %scan3A_208 = arith.constant 4 : i32
          %scan3A_209 = arith.addi %scan3A_106, %scan3A_208 : i32
          %mul3A_210 = arith.constant 50 : i32
          %mul3A_211 = arith.muli %scan3A_79, %mul3A_210 : i32
          %add3A_212 = arith.addi %mul3A_211, %scan3A_209 : i32
          %get3A_213 = arith.index_cast %add3A_212 : i32 to index
          %get3A_214 = arith.constant 0 : index
          %get3A_215 = tpu.vector_load %arg7[%get3A_213, %get3A_214] {strides = array<i32>} : memref<800x64xf32, #tpu.memory_space<vmem>>, vector<1x16xf32>,
          %get3A_216 = vector.shape_cast %get3A_215 : vector<1x16xf32> to vector<16xf32>
          %add3A_217 = arith.addf %add3A_192, %get3A_216 : vector<16xf32>
          %get3A_218 = arith.index_cast %add3A_212 : i32 to index
          %get3A_219 = arith.constant 16 : index
          %get3A_220 = tpu.vector_load %arg7[%get3A_218, %get3A_219] {strides = array<i32>} : memref<800x64xf32, #tpu.memory_space<vmem>>, vector<1x16xf32>,
          %get3A_221 = vector.shape_cast %get3A_220 : vector<1x16xf32> to vector<16xf32>
          %add3A_222 = arith.addf %add3A_197, %get3A_221 : vector<16xf32>
          %get3A_223 = arith.index_cast %add3A_212 : i32 to index
          %get3A_224 = arith.constant 32 : index
          %get3A_225 = tpu.vector_load %arg7[%get3A_223, %get3A_224] {strides = array<i32>} : memref<800x64xf32, #tpu.memory_space<vmem>>, vector<1x16xf32>,
          %get3A_226 = vector.shape_cast %get3A_225 : vector<1x16xf32> to vector<16xf32>
          %add3A_227 = arith.addf %add3A_202, %get3A_226 : vector<16xf32>
          %get3A_228 = arith.index_cast %add3A_212 : i32 to index
          %get3A_229 = arith.constant 48 : index
          %get3A_230 = tpu.vector_load %arg7[%get3A_228, %get3A_229] {strides = array<i32>} : memref<800x64xf32, #tpu.memory_space<vmem>>, vector<1x16xf32>,
          %get3A_231 = vector.shape_cast %get3A_230 : vector<1x16xf32> to vector<16xf32>
          %add3A_232 = arith.addf %add3A_207, %get3A_231 : vector<16xf32>
          %scan3A_233 = arith.constant 5 : i32
          %scan3A_234 = arith.addi %scan3A_106, %scan3A_233 : i32
          %mul3A_235 = arith.constant 50 : i32
          %mul3A_236 = arith.muli %scan3A_79, %mul3A_235 : i32
          %add3A_237 = arith.addi %mul3A_236, %scan3A_234 : i32
          %get3A_238 = arith.index_cast %add3A_237 : i32 to index
          %get3A_239 = arith.constant 0 : index
          %get3A_240 = tpu.vector_load %arg7[%get3A_238, %get3A_239] {strides = array<i32>} : memref<800x64xf32, #tpu.memory_space<vmem>>, vector<1x16xf32>,
          %get3A_241 = vector.shape_cast %get3A_240 : vector<1x16xf32> to vector<16xf32>
          %add3A_242 = arith.addf %add3A_217, %get3A_241 : vector<16xf32>
          %get3A_243 = arith.index_cast %add3A_237 : i32 to index
          %get3A_244 = arith.constant 16 : index
          %get3A_245 = tpu.vector_load %arg7[%get3A_243, %get3A_244] {strides = array<i32>} : memref<800x64xf32, #tpu.memory_space<vmem>>, vector<1x16xf32>,
          %get3A_246 = vector.shape_cast %get3A_245 : vector<1x16xf32> to vector<16xf32>
          %add3A_247 = arith.addf %add3A_222, %get3A_246 : vector<16xf32>
          %get3A_248 = arith.index_cast %add3A_237 : i32 to index
          %get3A_249 = arith.constant 32 : index
          %get3A_250 = tpu.vector_load %arg7[%get3A_248, %get3A_249] {strides = array<i32>} : memref<800x64xf32, #tpu.memory_space<vmem>>, vector<1x16xf32>,
          %get3A_251 = vector.shape_cast %get3A_250 : vector<1x16xf32> to vector<16xf32>
          %add3A_252 = arith.addf %add3A_227, %get3A_251 : vector<16xf32>
          %get3A_253 = arith.index_cast %add3A_237 : i32 to index
          %get3A_254 = arith.constant 48 : index
          %get3A_255 = tpu.vector_load %arg7[%get3A_253, %get3A_254] {strides = array<i32>} : memref<800x64xf32, #tpu.memory_space<vmem>>, vector<1x16xf32>,
          %get3A_256 = vector.shape_cast %get3A_255 : vector<1x16xf32> to vector<16xf32>
          %add3A_257 = arith.addf %add3A_232, %get3A_256 : vector<16xf32>
          %scan3A_258 = arith.constant 6 : i32
          %scan3A_259 = arith.addi %scan3A_106, %scan3A_258 : i32
          %mul3A_260 = arith.constant 50 : i32
          %mul3A_261 = arith.muli %scan3A_79, %mul3A_260 : i32
          %add3A_262 = arith.addi %mul3A_261, %scan3A_259 : i32
          %get3A_263 = arith.index_cast %add3A_262 : i32 to index
          %get3A_264 = arith.constant 0 : index
          %get3A_265 = tpu.vector_load %arg7[%get3A_263, %get3A_264] {strides = array<i32>} : memref<800x64xf32, #tpu.memory_space<vmem>>, vector<1x16xf32>,
          %get3A_266 = vector.shape_cast %get3A_265 : vector<1x16xf32> to vector<16xf32>
          %add3A_267 = arith.addf %add3A_242, %get3A_266 : vector<16xf32>
          %get3A_268 = arith.index_cast %add3A_262 : i32 to index
          %get3A_269 = arith.constant 16 : index
          %get3A_270 = tpu.vector_load %arg7[%get3A_268, %get3A_269] {strides = array<i32>} : memref<800x64xf32, #tpu.memory_space<vmem>>, vector<1x16xf32>,
          %get3A_271 = vector.shape_cast %get3A_270 : vector<1x16xf32> to vector<16xf32>
          %add3A_272 = arith.addf %add3A_247, %get3A_271 : vector<16xf32>
          %get3A_273 = arith.index_cast %add3A_262 : i32 to index
          %get3A_274 = arith.constant 32 : index
          %get3A_275 = tpu.vector_load %arg7[%get3A_273, %get3A_274] {strides = array<i32>} : memref<800x64xf32, #tpu.memory_space<vmem>>, vector<1x16xf32>,
          %get3A_276 = vector.shape_cast %get3A_275 : vector<1x16xf32> to vector<16xf32>
          %add3A_277 = arith.addf %add3A_252, %get3A_276 : vector<16xf32>
          %get3A_278 = arith.index_cast %add3A_262 : i32 to index
          %get3A_279 = arith.constant 48 : index
          %get3A_280 = tpu.vector_load %arg7[%get3A_278, %get3A_279] {strides = array<i32>} : memref<800x64xf32, #tpu.memory_space<vmem>>, vector<1x16xf32>,
          %get3A_281 = vector.shape_cast %get3A_280 : vector<1x16xf32> to vector<16xf32>
          %add3A_282 = arith.addf %add3A_257, %get3A_281 : vector<16xf32>
          %scan3A_283 = arith.constant 7 : i32
          %scan3A_284 = arith.addi %scan3A_106, %scan3A_283 : i32
          %mul3A_285 = arith.constant 50 : i32
          %mul3A_286 = arith.muli %scan3A_79, %mul3A_285 : i32
          %add3A_287 = arith.addi %mul3A_286, %scan3A_284 : i32
          %get3A_288 = arith.index_cast %add3A_287 : i32 to index
          %get3A_289 = arith.constant 0 : index
          %get3A_290 = tpu.vector_load %arg7[%get3A_288, %get3A_289] {strides = array<i32>} : memref<800x64xf32, #tpu.memory_space<vmem>>, vector<1x16xf32>,
          %get3A_291 = vector.shape_cast %get3A_290 : vector<1x16xf32> to vector<16xf32>
          %add3A_292 = arith.addf %add3A_267, %get3A_291 : vector<16xf32>
          %get3A_293 = arith.index_cast %add3A_287 : i32 to index
          %get3A_294 = arith.constant 16 : index
          %get3A_295 = tpu.vector_load %arg7[%get3A_293, %get3A_294] {strides = array<i32>} : memref<800x64xf32, #tpu.memory_space<vmem>>, vector<1x16xf32>,
          %get3A_296 = vector.shape_cast %get3A_295 : vector<1x16xf32> to vector<16xf32>
          %add3A_297 = arith.addf %add3A_272, %get3A_296 : vector<16xf32>
          %get3A_298 = arith.index_cast %add3A_287 : i32 to index
          %get3A_299 = arith.constant 32 : index
          %get3A_300 = tpu.vector_load %arg7[%get3A_298, %get3A_299] {strides = array<i32>} : memref<800x64xf32, #tpu.memory_space<vmem>>, vector<1x16xf32>,
          %get3A_301 = vector.shape_cast %get3A_300 : vector<1x16xf32> to vector<16xf32>
          %add3A_302 = arith.addf %add3A_277, %get3A_301 : vector<16xf32>
          %get3A_303 = arith.index_cast %add3A_287 : i32 to index
          %get3A_304 = arith.constant 48 : index
          %get3A_305 = tpu.vector_load %arg7[%get3A_303, %get3A_304] {strides = array<i32>} : memref<800x64xf32, #tpu.memory_space<vmem>>, vector<1x16xf32>,
          %get3A_306 = vector.shape_cast %get3A_305 : vector<1x16xf32> to vector<16xf32>
          %add3A_307 = arith.addf %add3A_282, %get3A_306 : vector<16xf32>
          %scan3A_308 = arith.constant 8 : i32
          %scan3A_309 = arith.addi %scan3A_106, %scan3A_308 : i32
          %mul3A_310 = arith.constant 50 : i32
          %mul3A_311 = arith.muli %scan3A_79, %mul3A_310 : i32
          %add3A_312 = arith.addi %mul3A_311, %scan3A_309 : i32
          %get3A_313 = arith.index_cast %add3A_312 : i32 to index
          %get3A_314 = arith.constant 0 : index
          %get3A_315 = tpu.vector_load %arg7[%get3A_313, %get3A_314] {strides = array<i32>} : memref<800x64xf32, #tpu.memory_space<vmem>>, vector<1x16xf32>,
          %get3A_316 = vector.shape_cast %get3A_315 : vector<1x16xf32> to vector<16xf32>
          %add3A_317 = arith.addf %add3A_292, %get3A_316 : vector<16xf32>
          %get3A_318 = arith.index_cast %add3A_312 : i32 to index
          %get3A_319 = arith.constant 16 : index
          %get3A_320 = tpu.vector_load %arg7[%get3A_318, %get3A_319] {strides = array<i32>} : memref<800x64xf32, #tpu.memory_space<vmem>>, vector<1x16xf32>,
          %get3A_321 = vector.shape_cast %get3A_320 : vector<1x16xf32> to vector<16xf32>
          %add3A_322 = arith.addf %add3A_297, %get3A_321 : vector<16xf32>
          %get3A_323 = arith.index_cast %add3A_312 : i32 to index
          %get3A_324 = arith.constant 32 : index
          %get3A_325 = tpu.vector_load %arg7[%get3A_323, %get3A_324] {strides = array<i32>} : memref<800x64xf32, #tpu.memory_space<vmem>>, vector<1x16xf32>,
          %get3A_326 = vector.shape_cast %get3A_325 : vector<1x16xf32> to vector<16xf32>
          %add3A_327 = arith.addf %add3A_302, %get3A_326 : vector<16xf32>
          %get3A_328 = arith.index_cast %add3A_312 : i32 to index
          %get3A_329 = arith.constant 48 : index
          %get3A_330 = tpu.vector_load %arg7[%get3A_328, %get3A_329] {strides = array<i32>} : memref<800x64xf32, #tpu.memory_space<vmem>>, vector<1x16xf32>,
          %get3A_331 = vector.shape_cast %get3A_330 : vector<1x16xf32> to vector<16xf32>
          %add3A_332 = arith.addf %add3A_307, %get3A_331 : vector<16xf32>
          %scan3A_333 = arith.constant 9 : i32
          %scan3A_334 = arith.addi %scan3A_106, %scan3A_333 : i32
          %mul3A_335 = arith.constant 50 : i32
          %mul3A_336 = arith.muli %scan3A_79, %mul3A_335 : i32
          %add3A_337 = arith.addi %mul3A_336, %scan3A_334 : i32
          %get3A_338 = arith.index_cast %add3A_337 : i32 to index
          %get3A_339 = arith.constant 0 : index
          %get3A_340 = tpu.vector_load %arg7[%get3A_338, %get3A_339] {strides = array<i32>} : memref<800x64xf32, #tpu.memory_space<vmem>>, vector<1x16xf32>,
          %get3A_341 = vector.shape_cast %get3A_340 : vector<1x16xf32> to vector<16xf32>
          %add3A_342 = arith.addf %add3A_317, %get3A_341 : vector<16xf32>
          %get3A_343 = arith.index_cast %add3A_337 : i32 to index
          %get3A_344 = arith.constant 16 : index
          %get3A_345 = tpu.vector_load %arg7[%get3A_343, %get3A_344] {strides = array<i32>} : memref<800x64xf32, #tpu.memory_space<vmem>>, vector<1x16xf32>,
          %get3A_346 = vector.shape_cast %get3A_345 : vector<1x16xf32> to vector<16xf32>
          %add3A_347 = arith.addf %add3A_322, %get3A_346 : vector<16xf32>
          %get3A_348 = arith.index_cast %add3A_337 : i32 to index
          %get3A_349 = arith.constant 32 : index
          %get3A_350 = tpu.vector_load %arg7[%get3A_348, %get3A_349] {strides = array<i32>} : memref<800x64xf32, #tpu.memory_space<vmem>>, vector<1x16xf32>,
          %get3A_351 = vector.shape_cast %get3A_350 : vector<1x16xf32> to vector<16xf32>
          %add3A_352 = arith.addf %add3A_327, %get3A_351 : vector<16xf32>
          %get3A_353 = arith.index_cast %add3A_337 : i32 to index
          %get3A_354 = arith.constant 48 : index
          %get3A_355 = tpu.vector_load %arg7[%get3A_353, %get3A_354] {strides = array<i32>} : memref<800x64xf32, #tpu.memory_space<vmem>>, vector<1x16xf32>,
          %get3A_356 = vector.shape_cast %get3A_355 : vector<1x16xf32> to vector<16xf32>
          %add3A_357 = arith.addf %add3A_332, %get3A_356 : vector<16xf32>
          scf.yield %add3A_342, %add3A_347, %add3A_352, %add3A_357 : vector<16xf32>, vector<16xf32>, vector<16xf32>, vector<16xf32>
        }
        %scan3A_86 = arith.constant 50 : i32
        %swap3A = arith.index_cast %scan3A_79 : i32 to index
        %swap3A_87 = arith.constant 0 : index
        %swap3A_88 = tpu.vector_load %arg9[%swap3A, %swap3A_87] {strides = array<i32>} : memref<16x64xf32, #tpu.memory_space<vmem>>, vector<1x16xf32>,
        %swap3A_89 = vector.shape_cast %swap3A_88 : vector<1x16xf32> to vector<16xf32>
        %swap3A_90 = vector.shape_cast %scan3A_85#0 : vector<16xf32> to vector<1x16xf32>
        tpu.vector_store %arg9[%swap3A, %swap3A_87], %swap3A_90 {strides = array<i32>} : memref<16x64xf32, #tpu.memory_space<vmem>>, vector<1x16xf32>,
        %swap3A_91 = arith.index_cast %scan3A_79 : i32 to index
        %swap3A_92 = arith.constant 16 : index
        %swap3A_93 = tpu.vector_load %arg9[%swap3A_91, %swap3A_92] {strides = array<i32>} : memref<16x64xf32, #tpu.memory_space<vmem>>, vector<1x16xf32>,
        %swap3A_94 = vector.shape_cast %swap3A_93 : vector<1x16xf32> to vector<16xf32>
        %swap3A_95 = vector.shape_cast %scan3A_85#1 : vector<16xf32> to vector<1x16xf32>
        tpu.vector_store %arg9[%swap3A_91, %swap3A_92], %swap3A_95 {strides = array<i32>} : memref<16x64xf32, #tpu.memory_space<vmem>>, vector<1x16xf32>,
        %swap3A_96 = arith.index_cast %scan3A_79 : i32 to index
        %swap3A_97 = arith.constant 32 : index
        %swap3A_98 = tpu.vector_load %arg9[%swap3A_96, %swap3A_97] {strides = array<i32>} : memref<16x64xf32, #tpu.memory_space<vmem>>, vector<1x16xf32>,
        %swap3A_99 = vector.shape_cast %swap3A_98 : vector<1x16xf32> to vector<16xf32>
        %swap3A_100 = vector.shape_cast %scan3A_85#2 : vector<16xf32> to vector<1x16xf32>
        tpu.vector_store %arg9[%swap3A_96, %swap3A_97], %swap3A_100 {strides = array<i32>} : memref<16x64xf32, #tpu.memory_space<vmem>>, vector<1x16xf32>,
        %swap3A_101 = arith.index_cast %scan3A_79 : i32 to index
        %swap3A_102 = arith.constant 48 : index
        %swap3A_103 = tpu.vector_load %arg9[%swap3A_101, %swap3A_102] {strides = array<i32>} : memref<16x64xf32, #tpu.memory_space<vmem>>, vector<1x16xf32>,
        %swap3A_104 = vector.shape_cast %swap3A_103 : vector<1x16xf32> to vector<16xf32>
        %swap3A_105 = vector.shape_cast %scan3A_85#3 : vector<16xf32> to vector<1x16xf32>
        tpu.vector_store %arg9[%swap3A_101, %swap3A_102], %swap3A_105 {strides = array<i32>} : memref<16x64xf32, #tpu.memory_space<vmem>>, vector<1x16xf32>,
      }
      %scan3A_49 = arith.constant 16 : i32
      %mul3A_50 = arith.constant 16 : i32
      %mul3A_51 = arith.muli %mul3A_27, %mul3A_50 : i32
      %add3A_52 = arith.addi %mul3A_2, %mul3A_51 : i32
      "tpu.region"() ({
        %run_scoped3A = tpu.sem_alloc : memref<!tpu.dma_semaphore, #tpu.memory_space<semaphore_mem>>
        %dma_start3A_79 = arith.constant 0 : i32
        %dma_start3A_80 = tpu.memref_slice %arg4[%add3A_52, %dma_start3A_79] : memref<16384x64xf32, #tpu.memory_space<hbm>> -> memref<16x64xf32, #tpu.memory_space<hbm>>
        %dma_start3A_81 = arith.constant 0 : i32
        %dma_start3A_82 = tpu.memref_slice %arg4[%add3A_52, %dma_start3A_81] : memref<16384x64xf32, #tpu.memory_space<hbm>> -> memref<16x64xf32, #tpu.memory_space<hbm>>
        tpu.enqueue_dma source(%arg9 : memref<16x64xf32, #tpu.memory_space<vmem>>) target(%dma_start3A_82 : memref<16x64xf32, #tpu.memory_space<hbm>>) target_semaphore(%run_scoped3A : memref<!tpu.dma_semaphore, #tpu.memory_space<semaphore_mem>>)
        %dma_wait3A_83 = arith.constant 0 : i32
        %dma_wait3A_84 = tpu.memref_slice %arg4[%add3A_52, %dma_wait3A_83] : memref<16384x64xf32, #tpu.memory_space<hbm>> -> memref<16x64xf32, #tpu.memory_space<hbm>>
        %dma_wait3A_85 = arith.constant 0 : i32
        %dma_wait3A_86 = tpu.memref_slice %arg4[%add3A_52, %dma_wait3A_85] : memref<16384x64xf32, #tpu.memory_space<hbm>> -> memref<16x64xf32, #tpu.memory_space<hbm>>
        tpu.wait_dma2 semaphore(%run_scoped3A : memref<!tpu.dma_semaphore, #tpu.memory_space<semaphore_mem>>) src(%arg9 : memref<16x64xf32, #tpu.memory_space<vmem>>) dst(%dma_wait3A_86 : memref<16x64xf32, #tpu.memory_space<hbm>>)
        tpu.yield
      }) : () -> ()
      %add3A_53 = arith.constant 2 : i32
      %add3A_54 = arith.addi %mul3A_27, %add3A_53 : i32
      %lt3A_55 = arith.constant 32 : i32
      %lt3A_56 = arith.cmpi slt, %add3A_54, %lt3A_55 : i32
      %convert_element_type3A_57 = arith.extui %lt3A_56 : i1 to i32
      %cond3A_58 = arith.constant 0 : i32
      %cond3A_59 = arith.cmpi ne, %convert_element_type3A_57, %cond3A_58 : i32
      scf.if %cond3A_59 {
        %dma_wait3A_79 = arith.constant 0 : i32
        %dma_wait3A_80 = tpu.memref_slice %arg2[%dma_wait3A_79] : memref<819200xi32, #tpu.memory_space<hbm>> -> memref<800xi32, #tpu.memory_space<hbm>>
        %dma_wait3A_81 = arith.constant 0 : i32
        %dma_wait3A_82 = tpu.memref_slice %arg2[%dma_wait3A_81] : memref<819200xi32, #tpu.memory_space<hbm>> -> memref<800xi32, #tpu.memory_space<hbm>>
        tpu.wait_dma2 semaphore(%arg11 : memref<!tpu.dma_semaphore, #tpu.memory_space<semaphore_mem>>) src(%dma_wait3A_82 : memref<800xi32, #tpu.memory_space<hbm>>) dst(%arg5 : memref<800xi32, #tpu.memory_space<vmem>>)
        %dma_start3A_83 = arith.constant 0 : i32
        %dma_start3A_84 = arith.constant 0 : i32
        %dma_start3A_85 = tpu.memref_slice %arg3[%dma_start3A_83, %dma_start3A_84] : memref<101000x64xf32, #tpu.memory_space<hbm>> -> memref<101000x64xf32, #tpu.memory_space<hbm>>
        tpu.enqueue_indirect_dma source(%dma_start3A_85 : memref<101000x64xf32, #tpu.memory_space<hbm>>) target(%arg7 : memref<800x64xf32, #tpu.memory_space<vmem>>) offsets(%arg5 : memref<800xi32, #tpu.memory_space<vmem>>) semaphore(%arg13 : memref<!tpu.dma_semaphore, #tpu.memory_space<semaphore_mem>>)
      } else {
      }
      %dma_wait3A_60 = arith.constant 0 : i32
      %dma_wait3A_61 = arith.constant 0 : i32
      %dma_wait3A_62 = tpu.memref_slice %arg3[%dma_wait3A_60, %dma_wait3A_61] : memref<101000x64xf32, #tpu.memory_space<hbm>> -> memref<101000x64xf32, #tpu.memory_space<hbm>>
      tpu.wait_indirect_dma semaphore(%arg14 : memref<!tpu.dma_semaphore, #tpu.memory_space<semaphore_mem>>) src(%dma_wait3A_62 : memref<101000x64xf32, #tpu.memory_space<hbm>>) dst(%arg8 : memref<800x64xf32, #tpu.memory_space<vmem>>)
      %add3A_63 = arith.constant 2 : i32
      %add3A_64 = arith.addi %add3A_29, %add3A_63 : i32
      %lt3A_65 = arith.constant 32 : i32
      %lt3A_66 = arith.cmpi slt, %add3A_64, %lt3A_65 : i32
      %convert_element_type3A_67 = arith.extui %lt3A_66 : i1 to i32
      %cond3A_68 = arith.constant 0 : i32
      %cond3A_69 = arith.cmpi ne, %convert_element_type3A_67, %cond3A_68 : i32
      scf.if %cond3A_69 {
        %add3A_79 = arith.constant 2 : i32
        %add3A_80 = arith.addi %add3A_29, %add3A_79 : i32
        %mul3A_81 = arith.constant 16 : i32
        %mul3A_82 = arith.muli %add3A_80, %mul3A_81 : i32
        %add3A_83 = arith.addi %mul3A_2, %mul3A_82 : i32
        %mul3A_84 = arith.constant 50 : i32
        %mul3A_85 = arith.muli %add3A_83, %mul3A_84 : i32
        %dma_start3A_86 = tpu.memref_slice %arg2[%mul3A_85] : memref<819200xi32, #tpu.memory_space<hbm>> -> memref<800xi32, #tpu.memory_space<hbm>>
        %dma_start3A_87 = tpu.memref_slice %arg2[%mul3A_85] : memref<819200xi32, #tpu.memory_space<hbm>> -> memref<800xi32, #tpu.memory_space<hbm>>
        tpu.enqueue_dma source(%dma_start3A_87 : memref<800xi32, #tpu.memory_space<hbm>>) target(%arg6 : memref<800xi32, #tpu.memory_space<vmem>>) target_semaphore(%arg12 : memref<!tpu.dma_semaphore, #tpu.memory_space<semaphore_mem>>)
      } else {
      }
      %scan3A_70 = arith.constant 0 : i32
      %scan3A_71 = arith.constant 0 : i32
      %scan3A_72 = arith.constant 16 : i32
      %scan3A_73 = arith.addi %scan3A_71, %scan3A_72 : i32
      %scan3A_74 = arith.constant 1 : i32
      scf.for %scan3A_79 = %scan3A_71 to %scan3A_73 step %scan3A_74  : i32 {
        %broadcast_in_dim3A = arith.constant 0.000000e+00 : f32
        %broadcast_in_dim3A_80 = vector.broadcast %broadcast_in_dim3A : f32 to vector<16xf32>
        %scan3A_81 = arith.constant 0 : i32
        %scan3A_82 = arith.constant 50 : i32
        %scan3A_83 = arith.addi %scan3A_81, %scan3A_82 : i32
        %scan3A_84 = arith.constant 10 : i32
        %scan3A_85:4 = scf.for %scan3A_106 = %scan3A_81 to %scan3A_83 step %scan3A_84 iter_args(%scan3A_107 = %broadcast_in_dim3A_80, %scan3A_108 = %broadcast_in_dim3A_80, %scan3A_109 = %broadcast_in_dim3A_80, %scan3A_110 = %broadcast_in_dim3A_80) -> (vector<16xf32>, vector<16xf32>, vector<16xf32>, vector<16xf32>)  : i32 {
          %mul3A_111 = arith.constant 50 : i32
          %mul3A_112 = arith.muli %scan3A_79, %mul3A_111 : i32
          %add3A_113 = arith.addi %mul3A_112, %scan3A_106 : i32
          %get3A = arith.index_cast %add3A_113 : i32 to index
          %get3A_114 = arith.constant 0 : index
          %get3A_115 = tpu.vector_load %arg8[%get3A, %get3A_114] {strides = array<i32>} : memref<800x64xf32, #tpu.memory_space<vmem>>, vector<1x16xf32>,
          %get3A_116 = vector.shape_cast %get3A_115 : vector<1x16xf32> to vector<16xf32>
          %add3A_117 = arith.addf %scan3A_107, %get3A_116 : vector<16xf32>
          %get3A_118 = arith.index_cast %add3A_113 : i32 to index
          %get3A_119 = arith.constant 16 : index
          %get3A_120 = tpu.vector_load %arg8[%get3A_118, %get3A_119] {strides = array<i32>} : memref<800x64xf32, #tpu.memory_space<vmem>>, vector<1x16xf32>,
          %get3A_121 = vector.shape_cast %get3A_120 : vector<1x16xf32> to vector<16xf32>
          %add3A_122 = arith.addf %scan3A_108, %get3A_121 : vector<16xf32>
          %get3A_123 = arith.index_cast %add3A_113 : i32 to index
          %get3A_124 = arith.constant 32 : index
          %get3A_125 = tpu.vector_load %arg8[%get3A_123, %get3A_124] {strides = array<i32>} : memref<800x64xf32, #tpu.memory_space<vmem>>, vector<1x16xf32>,
          %get3A_126 = vector.shape_cast %get3A_125 : vector<1x16xf32> to vector<16xf32>
          %add3A_127 = arith.addf %scan3A_109, %get3A_126 : vector<16xf32>
          %get3A_128 = arith.index_cast %add3A_113 : i32 to index
          %get3A_129 = arith.constant 48 : index
          %get3A_130 = tpu.vector_load %arg8[%get3A_128, %get3A_129] {strides = array<i32>} : memref<800x64xf32, #tpu.memory_space<vmem>>, vector<1x16xf32>,
          %get3A_131 = vector.shape_cast %get3A_130 : vector<1x16xf32> to vector<16xf32>
          %add3A_132 = arith.addf %scan3A_110, %get3A_131 : vector<16xf32>
          %scan3A_133 = arith.constant 1 : i32
          %scan3A_134 = arith.addi %scan3A_106, %scan3A_133 : i32
          %mul3A_135 = arith.constant 50 : i32
          %mul3A_136 = arith.muli %scan3A_79, %mul3A_135 : i32
          %add3A_137 = arith.addi %mul3A_136, %scan3A_134 : i32
          %get3A_138 = arith.index_cast %add3A_137 : i32 to index
          %get3A_139 = arith.constant 0 : index
          %get3A_140 = tpu.vector_load %arg8[%get3A_138, %get3A_139] {strides = array<i32>} : memref<800x64xf32, #tpu.memory_space<vmem>>, vector<1x16xf32>,
          %get3A_141 = vector.shape_cast %get3A_140 : vector<1x16xf32> to vector<16xf32>
          %add3A_142 = arith.addf %add3A_117, %get3A_141 : vector<16xf32>
          %get3A_143 = arith.index_cast %add3A_137 : i32 to index
          %get3A_144 = arith.constant 16 : index
          %get3A_145 = tpu.vector_load %arg8[%get3A_143, %get3A_144] {strides = array<i32>} : memref<800x64xf32, #tpu.memory_space<vmem>>, vector<1x16xf32>,
          %get3A_146 = vector.shape_cast %get3A_145 : vector<1x16xf32> to vector<16xf32>
          %add3A_147 = arith.addf %add3A_122, %get3A_146 : vector<16xf32>
          %get3A_148 = arith.index_cast %add3A_137 : i32 to index
          %get3A_149 = arith.constant 32 : index
          %get3A_150 = tpu.vector_load %arg8[%get3A_148, %get3A_149] {strides = array<i32>} : memref<800x64xf32, #tpu.memory_space<vmem>>, vector<1x16xf32>,
          %get3A_151 = vector.shape_cast %get3A_150 : vector<1x16xf32> to vector<16xf32>
          %add3A_152 = arith.addf %add3A_127, %get3A_151 : vector<16xf32>
          %get3A_153 = arith.index_cast %add3A_137 : i32 to index
          %get3A_154 = arith.constant 48 : index
          %get3A_155 = tpu.vector_load %arg8[%get3A_153, %get3A_154] {strides = array<i32>} : memref<800x64xf32, #tpu.memory_space<vmem>>, vector<1x16xf32>,
          %get3A_156 = vector.shape_cast %get3A_155 : vector<1x16xf32> to vector<16xf32>
          %add3A_157 = arith.addf %add3A_132, %get3A_156 : vector<16xf32>
          %scan3A_158 = arith.constant 2 : i32
          %scan3A_159 = arith.addi %scan3A_106, %scan3A_158 : i32
          %mul3A_160 = arith.constant 50 : i32
          %mul3A_161 = arith.muli %scan3A_79, %mul3A_160 : i32
          %add3A_162 = arith.addi %mul3A_161, %scan3A_159 : i32
          %get3A_163 = arith.index_cast %add3A_162 : i32 to index
          %get3A_164 = arith.constant 0 : index
          %get3A_165 = tpu.vector_load %arg8[%get3A_163, %get3A_164] {strides = array<i32>} : memref<800x64xf32, #tpu.memory_space<vmem>>, vector<1x16xf32>,
          %get3A_166 = vector.shape_cast %get3A_165 : vector<1x16xf32> to vector<16xf32>
          %add3A_167 = arith.addf %add3A_142, %get3A_166 : vector<16xf32>
          %get3A_168 = arith.index_cast %add3A_162 : i32 to index
          %get3A_169 = arith.constant 16 : index
          %get3A_170 = tpu.vector_load %arg8[%get3A_168, %get3A_169] {strides = array<i32>} : memref<800x64xf32, #tpu.memory_space<vmem>>, vector<1x16xf32>,
          %get3A_171 = vector.shape_cast %get3A_170 : vector<1x16xf32> to vector<16xf32>
          %add3A_172 = arith.addf %add3A_147, %get3A_171 : vector<16xf32>
          %get3A_173 = arith.index_cast %add3A_162 : i32 to index
          %get3A_174 = arith.constant 32 : index
          %get3A_175 = tpu.vector_load %arg8[%get3A_173, %get3A_174] {strides = array<i32>} : memref<800x64xf32, #tpu.memory_space<vmem>>, vector<1x16xf32>,
          %get3A_176 = vector.shape_cast %get3A_175 : vector<1x16xf32> to vector<16xf32>
          %add3A_177 = arith.addf %add3A_152, %get3A_176 : vector<16xf32>
          %get3A_178 = arith.index_cast %add3A_162 : i32 to index
          %get3A_179 = arith.constant 48 : index
          %get3A_180 = tpu.vector_load %arg8[%get3A_178, %get3A_179] {strides = array<i32>} : memref<800x64xf32, #tpu.memory_space<vmem>>, vector<1x16xf32>,
          %get3A_181 = vector.shape_cast %get3A_180 : vector<1x16xf32> to vector<16xf32>
          %add3A_182 = arith.addf %add3A_157, %get3A_181 : vector<16xf32>
          %scan3A_183 = arith.constant 3 : i32
          %scan3A_184 = arith.addi %scan3A_106, %scan3A_183 : i32
          %mul3A_185 = arith.constant 50 : i32
          %mul3A_186 = arith.muli %scan3A_79, %mul3A_185 : i32
          %add3A_187 = arith.addi %mul3A_186, %scan3A_184 : i32
          %get3A_188 = arith.index_cast %add3A_187 : i32 to index
          %get3A_189 = arith.constant 0 : index
          %get3A_190 = tpu.vector_load %arg8[%get3A_188, %get3A_189] {strides = array<i32>} : memref<800x64xf32, #tpu.memory_space<vmem>>, vector<1x16xf32>,
          %get3A_191 = vector.shape_cast %get3A_190 : vector<1x16xf32> to vector<16xf32>
          %add3A_192 = arith.addf %add3A_167, %get3A_191 : vector<16xf32>
          %get3A_193 = arith.index_cast %add3A_187 : i32 to index
          %get3A_194 = arith.constant 16 : index
          %get3A_195 = tpu.vector_load %arg8[%get3A_193, %get3A_194] {strides = array<i32>} : memref<800x64xf32, #tpu.memory_space<vmem>>, vector<1x16xf32>,
          %get3A_196 = vector.shape_cast %get3A_195 : vector<1x16xf32> to vector<16xf32>
          %add3A_197 = arith.addf %add3A_172, %get3A_196 : vector<16xf32>
          %get3A_198 = arith.index_cast %add3A_187 : i32 to index
          %get3A_199 = arith.constant 32 : index
          %get3A_200 = tpu.vector_load %arg8[%get3A_198, %get3A_199] {strides = array<i32>} : memref<800x64xf32, #tpu.memory_space<vmem>>, vector<1x16xf32>,
          %get3A_201 = vector.shape_cast %get3A_200 : vector<1x16xf32> to vector<16xf32>
          %add3A_202 = arith.addf %add3A_177, %get3A_201 : vector<16xf32>
          %get3A_203 = arith.index_cast %add3A_187 : i32 to index
          %get3A_204 = arith.constant 48 : index
          %get3A_205 = tpu.vector_load %arg8[%get3A_203, %get3A_204] {strides = array<i32>} : memref<800x64xf32, #tpu.memory_space<vmem>>, vector<1x16xf32>,
          %get3A_206 = vector.shape_cast %get3A_205 : vector<1x16xf32> to vector<16xf32>
          %add3A_207 = arith.addf %add3A_182, %get3A_206 : vector<16xf32>
          %scan3A_208 = arith.constant 4 : i32
          %scan3A_209 = arith.addi %scan3A_106, %scan3A_208 : i32
          %mul3A_210 = arith.constant 50 : i32
          %mul3A_211 = arith.muli %scan3A_79, %mul3A_210 : i32
          %add3A_212 = arith.addi %mul3A_211, %scan3A_209 : i32
          %get3A_213 = arith.index_cast %add3A_212 : i32 to index
          %get3A_214 = arith.constant 0 : index
          %get3A_215 = tpu.vector_load %arg8[%get3A_213, %get3A_214] {strides = array<i32>} : memref<800x64xf32, #tpu.memory_space<vmem>>, vector<1x16xf32>,
          %get3A_216 = vector.shape_cast %get3A_215 : vector<1x16xf32> to vector<16xf32>
          %add3A_217 = arith.addf %add3A_192, %get3A_216 : vector<16xf32>
          %get3A_218 = arith.index_cast %add3A_212 : i32 to index
          %get3A_219 = arith.constant 16 : index
          %get3A_220 = tpu.vector_load %arg8[%get3A_218, %get3A_219] {strides = array<i32>} : memref<800x64xf32, #tpu.memory_space<vmem>>, vector<1x16xf32>,
          %get3A_221 = vector.shape_cast %get3A_220 : vector<1x16xf32> to vector<16xf32>
          %add3A_222 = arith.addf %add3A_197, %get3A_221 : vector<16xf32>
          %get3A_223 = arith.index_cast %add3A_212 : i32 to index
          %get3A_224 = arith.constant 32 : index
          %get3A_225 = tpu.vector_load %arg8[%get3A_223, %get3A_224] {strides = array<i32>} : memref<800x64xf32, #tpu.memory_space<vmem>>, vector<1x16xf32>,
          %get3A_226 = vector.shape_cast %get3A_225 : vector<1x16xf32> to vector<16xf32>
          %add3A_227 = arith.addf %add3A_202, %get3A_226 : vector<16xf32>
          %get3A_228 = arith.index_cast %add3A_212 : i32 to index
          %get3A_229 = arith.constant 48 : index
          %get3A_230 = tpu.vector_load %arg8[%get3A_228, %get3A_229] {strides = array<i32>} : memref<800x64xf32, #tpu.memory_space<vmem>>, vector<1x16xf32>,
          %get3A_231 = vector.shape_cast %get3A_230 : vector<1x16xf32> to vector<16xf32>
          %add3A_232 = arith.addf %add3A_207, %get3A_231 : vector<16xf32>
          %scan3A_233 = arith.constant 5 : i32
          %scan3A_234 = arith.addi %scan3A_106, %scan3A_233 : i32
          %mul3A_235 = arith.constant 50 : i32
          %mul3A_236 = arith.muli %scan3A_79, %mul3A_235 : i32
          %add3A_237 = arith.addi %mul3A_236, %scan3A_234 : i32
          %get3A_238 = arith.index_cast %add3A_237 : i32 to index
          %get3A_239 = arith.constant 0 : index
          %get3A_240 = tpu.vector_load %arg8[%get3A_238, %get3A_239] {strides = array<i32>} : memref<800x64xf32, #tpu.memory_space<vmem>>, vector<1x16xf32>,
          %get3A_241 = vector.shape_cast %get3A_240 : vector<1x16xf32> to vector<16xf32>
          %add3A_242 = arith.addf %add3A_217, %get3A_241 : vector<16xf32>
          %get3A_243 = arith.index_cast %add3A_237 : i32 to index
          %get3A_244 = arith.constant 16 : index
          %get3A_245 = tpu.vector_load %arg8[%get3A_243, %get3A_244] {strides = array<i32>} : memref<800x64xf32, #tpu.memory_space<vmem>>, vector<1x16xf32>,
          %get3A_246 = vector.shape_cast %get3A_245 : vector<1x16xf32> to vector<16xf32>
          %add3A_247 = arith.addf %add3A_222, %get3A_246 : vector<16xf32>
          %get3A_248 = arith.index_cast %add3A_237 : i32 to index
          %get3A_249 = arith.constant 32 : index
          %get3A_250 = tpu.vector_load %arg8[%get3A_248, %get3A_249] {strides = array<i32>} : memref<800x64xf32, #tpu.memory_space<vmem>>, vector<1x16xf32>,
          %get3A_251 = vector.shape_cast %get3A_250 : vector<1x16xf32> to vector<16xf32>
          %add3A_252 = arith.addf %add3A_227, %get3A_251 : vector<16xf32>
          %get3A_253 = arith.index_cast %add3A_237 : i32 to index
          %get3A_254 = arith.constant 48 : index
          %get3A_255 = tpu.vector_load %arg8[%get3A_253, %get3A_254] {strides = array<i32>} : memref<800x64xf32, #tpu.memory_space<vmem>>, vector<1x16xf32>,
          %get3A_256 = vector.shape_cast %get3A_255 : vector<1x16xf32> to vector<16xf32>
          %add3A_257 = arith.addf %add3A_232, %get3A_256 : vector<16xf32>
          %scan3A_258 = arith.constant 6 : i32
          %scan3A_259 = arith.addi %scan3A_106, %scan3A_258 : i32
          %mul3A_260 = arith.constant 50 : i32
          %mul3A_261 = arith.muli %scan3A_79, %mul3A_260 : i32
          %add3A_262 = arith.addi %mul3A_261, %scan3A_259 : i32
          %get3A_263 = arith.index_cast %add3A_262 : i32 to index
          %get3A_264 = arith.constant 0 : index
          %get3A_265 = tpu.vector_load %arg8[%get3A_263, %get3A_264] {strides = array<i32>} : memref<800x64xf32, #tpu.memory_space<vmem>>, vector<1x16xf32>,
          %get3A_266 = vector.shape_cast %get3A_265 : vector<1x16xf32> to vector<16xf32>
          %add3A_267 = arith.addf %add3A_242, %get3A_266 : vector<16xf32>
          %get3A_268 = arith.index_cast %add3A_262 : i32 to index
          %get3A_269 = arith.constant 16 : index
          %get3A_270 = tpu.vector_load %arg8[%get3A_268, %get3A_269] {strides = array<i32>} : memref<800x64xf32, #tpu.memory_space<vmem>>, vector<1x16xf32>,
          %get3A_271 = vector.shape_cast %get3A_270 : vector<1x16xf32> to vector<16xf32>
          %add3A_272 = arith.addf %add3A_247, %get3A_271 : vector<16xf32>
          %get3A_273 = arith.index_cast %add3A_262 : i32 to index
          %get3A_274 = arith.constant 32 : index
          %get3A_275 = tpu.vector_load %arg8[%get3A_273, %get3A_274] {strides = array<i32>} : memref<800x64xf32, #tpu.memory_space<vmem>>, vector<1x16xf32>,
          %get3A_276 = vector.shape_cast %get3A_275 : vector<1x16xf32> to vector<16xf32>
          %add3A_277 = arith.addf %add3A_252, %get3A_276 : vector<16xf32>
          %get3A_278 = arith.index_cast %add3A_262 : i32 to index
          %get3A_279 = arith.constant 48 : index
          %get3A_280 = tpu.vector_load %arg8[%get3A_278, %get3A_279] {strides = array<i32>} : memref<800x64xf32, #tpu.memory_space<vmem>>, vector<1x16xf32>,
          %get3A_281 = vector.shape_cast %get3A_280 : vector<1x16xf32> to vector<16xf32>
          %add3A_282 = arith.addf %add3A_257, %get3A_281 : vector<16xf32>
          %scan3A_283 = arith.constant 7 : i32
          %scan3A_284 = arith.addi %scan3A_106, %scan3A_283 : i32
          %mul3A_285 = arith.constant 50 : i32
          %mul3A_286 = arith.muli %scan3A_79, %mul3A_285 : i32
          %add3A_287 = arith.addi %mul3A_286, %scan3A_284 : i32
          %get3A_288 = arith.index_cast %add3A_287 : i32 to index
          %get3A_289 = arith.constant 0 : index
          %get3A_290 = tpu.vector_load %arg8[%get3A_288, %get3A_289] {strides = array<i32>} : memref<800x64xf32, #tpu.memory_space<vmem>>, vector<1x16xf32>,
          %get3A_291 = vector.shape_cast %get3A_290 : vector<1x16xf32> to vector<16xf32>
          %add3A_292 = arith.addf %add3A_267, %get3A_291 : vector<16xf32>
          %get3A_293 = arith.index_cast %add3A_287 : i32 to index
          %get3A_294 = arith.constant 16 : index
          %get3A_295 = tpu.vector_load %arg8[%get3A_293, %get3A_294] {strides = array<i32>} : memref<800x64xf32, #tpu.memory_space<vmem>>, vector<1x16xf32>,
          %get3A_296 = vector.shape_cast %get3A_295 : vector<1x16xf32> to vector<16xf32>
          %add3A_297 = arith.addf %add3A_272, %get3A_296 : vector<16xf32>
          %get3A_298 = arith.index_cast %add3A_287 : i32 to index
          %get3A_299 = arith.constant 32 : index
          %get3A_300 = tpu.vector_load %arg8[%get3A_298, %get3A_299] {strides = array<i32>} : memref<800x64xf32, #tpu.memory_space<vmem>>, vector<1x16xf32>,
          %get3A_301 = vector.shape_cast %get3A_300 : vector<1x16xf32> to vector<16xf32>
          %add3A_302 = arith.addf %add3A_277, %get3A_301 : vector<16xf32>
          %get3A_303 = arith.index_cast %add3A_287 : i32 to index
          %get3A_304 = arith.constant 48 : index
          %get3A_305 = tpu.vector_load %arg8[%get3A_303, %get3A_304] {strides = array<i32>} : memref<800x64xf32, #tpu.memory_space<vmem>>, vector<1x16xf32>,
          %get3A_306 = vector.shape_cast %get3A_305 : vector<1x16xf32> to vector<16xf32>
          %add3A_307 = arith.addf %add3A_282, %get3A_306 : vector<16xf32>
          %scan3A_308 = arith.constant 8 : i32
          %scan3A_309 = arith.addi %scan3A_106, %scan3A_308 : i32
          %mul3A_310 = arith.constant 50 : i32
          %mul3A_311 = arith.muli %scan3A_79, %mul3A_310 : i32
          %add3A_312 = arith.addi %mul3A_311, %scan3A_309 : i32
          %get3A_313 = arith.index_cast %add3A_312 : i32 to index
          %get3A_314 = arith.constant 0 : index
          %get3A_315 = tpu.vector_load %arg8[%get3A_313, %get3A_314] {strides = array<i32>} : memref<800x64xf32, #tpu.memory_space<vmem>>, vector<1x16xf32>,
          %get3A_316 = vector.shape_cast %get3A_315 : vector<1x16xf32> to vector<16xf32>
          %add3A_317 = arith.addf %add3A_292, %get3A_316 : vector<16xf32>
          %get3A_318 = arith.index_cast %add3A_312 : i32 to index
          %get3A_319 = arith.constant 16 : index
          %get3A_320 = tpu.vector_load %arg8[%get3A_318, %get3A_319] {strides = array<i32>} : memref<800x64xf32, #tpu.memory_space<vmem>>, vector<1x16xf32>,
          %get3A_321 = vector.shape_cast %get3A_320 : vector<1x16xf32> to vector<16xf32>
          %add3A_322 = arith.addf %add3A_297, %get3A_321 : vector<16xf32>
          %get3A_323 = arith.index_cast %add3A_312 : i32 to index
          %get3A_324 = arith.constant 32 : index
          %get3A_325 = tpu.vector_load %arg8[%get3A_323, %get3A_324] {strides = array<i32>} : memref<800x64xf32, #tpu.memory_space<vmem>>, vector<1x16xf32>,
          %get3A_326 = vector.shape_cast %get3A_325 : vector<1x16xf32> to vector<16xf32>
          %add3A_327 = arith.addf %add3A_302, %get3A_326 : vector<16xf32>
          %get3A_328 = arith.index_cast %add3A_312 : i32 to index
          %get3A_329 = arith.constant 48 : index
          %get3A_330 = tpu.vector_load %arg8[%get3A_328, %get3A_329] {strides = array<i32>} : memref<800x64xf32, #tpu.memory_space<vmem>>, vector<1x16xf32>,
          %get3A_331 = vector.shape_cast %get3A_330 : vector<1x16xf32> to vector<16xf32>
          %add3A_332 = arith.addf %add3A_307, %get3A_331 : vector<16xf32>
          %scan3A_333 = arith.constant 9 : i32
          %scan3A_334 = arith.addi %scan3A_106, %scan3A_333 : i32
          %mul3A_335 = arith.constant 50 : i32
          %mul3A_336 = arith.muli %scan3A_79, %mul3A_335 : i32
          %add3A_337 = arith.addi %mul3A_336, %scan3A_334 : i32
          %get3A_338 = arith.index_cast %add3A_337 : i32 to index
          %get3A_339 = arith.constant 0 : index
          %get3A_340 = tpu.vector_load %arg8[%get3A_338, %get3A_339] {strides = array<i32>} : memref<800x64xf32, #tpu.memory_space<vmem>>, vector<1x16xf32>,
          %get3A_341 = vector.shape_cast %get3A_340 : vector<1x16xf32> to vector<16xf32>
          %add3A_342 = arith.addf %add3A_317, %get3A_341 : vector<16xf32>
          %get3A_343 = arith.index_cast %add3A_337 : i32 to index
          %get3A_344 = arith.constant 16 : index
          %get3A_345 = tpu.vector_load %arg8[%get3A_343, %get3A_344] {strides = array<i32>} : memref<800x64xf32, #tpu.memory_space<vmem>>, vector<1x16xf32>,
          %get3A_346 = vector.shape_cast %get3A_345 : vector<1x16xf32> to vector<16xf32>
          %add3A_347 = arith.addf %add3A_322, %get3A_346 : vector<16xf32>
          %get3A_348 = arith.index_cast %add3A_337 : i32 to index
          %get3A_349 = arith.constant 32 : index
          %get3A_350 = tpu.vector_load %arg8[%get3A_348, %get3A_349] {strides = array<i32>} : memref<800x64xf32, #tpu.memory_space<vmem>>, vector<1x16xf32>,
          %get3A_351 = vector.shape_cast %get3A_350 : vector<1x16xf32> to vector<16xf32>
          %add3A_352 = arith.addf %add3A_327, %get3A_351 : vector<16xf32>
          %get3A_353 = arith.index_cast %add3A_337 : i32 to index
          %get3A_354 = arith.constant 48 : index
          %get3A_355 = tpu.vector_load %arg8[%get3A_353, %get3A_354] {strides = array<i32>} : memref<800x64xf32, #tpu.memory_space<vmem>>, vector<1x16xf32>,
          %get3A_356 = vector.shape_cast %get3A_355 : vector<1x16xf32> to vector<16xf32>
          %add3A_357 = arith.addf %add3A_332, %get3A_356 : vector<16xf32>
          scf.yield %add3A_342, %add3A_347, %add3A_352, %add3A_357 : vector<16xf32>, vector<16xf32>, vector<16xf32>, vector<16xf32>
        }
        %scan3A_86 = arith.constant 50 : i32
        %swap3A = arith.index_cast %scan3A_79 : i32 to index
        %swap3A_87 = arith.constant 0 : index
        %swap3A_88 = tpu.vector_load %arg10[%swap3A, %swap3A_87] {strides = array<i32>} : memref<16x64xf32, #tpu.memory_space<vmem>>, vector<1x16xf32>,
        %swap3A_89 = vector.shape_cast %swap3A_88 : vector<1x16xf32> to vector<16xf32>
        %swap3A_90 = vector.shape_cast %scan3A_85#0 : vector<16xf32> to vector<1x16xf32>
        tpu.vector_store %arg10[%swap3A, %swap3A_87], %swap3A_90 {strides = array<i32>} : memref<16x64xf32, #tpu.memory_space<vmem>>, vector<1x16xf32>,
        %swap3A_91 = arith.index_cast %scan3A_79 : i32 to index
        %swap3A_92 = arith.constant 16 : index
        %swap3A_93 = tpu.vector_load %arg10[%swap3A_91, %swap3A_92] {strides = array<i32>} : memref<16x64xf32, #tpu.memory_space<vmem>>, vector<1x16xf32>,
        %swap3A_94 = vector.shape_cast %swap3A_93 : vector<1x16xf32> to vector<16xf32>
        %swap3A_95 = vector.shape_cast %scan3A_85#1 : vector<16xf32> to vector<1x16xf32>
        tpu.vector_store %arg10[%swap3A_91, %swap3A_92], %swap3A_95 {strides = array<i32>} : memref<16x64xf32, #tpu.memory_space<vmem>>, vector<1x16xf32>,
        %swap3A_96 = arith.index_cast %scan3A_79 : i32 to index
        %swap3A_97 = arith.constant 32 : index
        %swap3A_98 = tpu.vector_load %arg10[%swap3A_96, %swap3A_97] {strides = array<i32>} : memref<16x64xf32, #tpu.memory_space<vmem>>, vector<1x16xf32>,
        %swap3A_99 = vector.shape_cast %swap3A_98 : vector<1x16xf32> to vector<16xf32>
        %swap3A_100 = vector.shape_cast %scan3A_85#2 : vector<16xf32> to vector<1x16xf32>
        tpu.vector_store %arg10[%swap3A_96, %swap3A_97], %swap3A_100 {strides = array<i32>} : memref<16x64xf32, #tpu.memory_space<vmem>>, vector<1x16xf32>,
        %swap3A_101 = arith.index_cast %scan3A_79 : i32 to index
        %swap3A_102 = arith.constant 48 : index
        %swap3A_103 = tpu.vector_load %arg10[%swap3A_101, %swap3A_102] {strides = array<i32>} : memref<16x64xf32, #tpu.memory_space<vmem>>, vector<1x16xf32>,
        %swap3A_104 = vector.shape_cast %swap3A_103 : vector<1x16xf32> to vector<16xf32>
        %swap3A_105 = vector.shape_cast %scan3A_85#3 : vector<16xf32> to vector<1x16xf32>
        tpu.vector_store %arg10[%swap3A_101, %swap3A_102], %swap3A_105 {strides = array<i32>} : memref<16x64xf32, #tpu.memory_space<vmem>>, vector<1x16xf32>,
      }
      %scan3A_75 = arith.constant 16 : i32
      %mul3A_76 = arith.constant 16 : i32
      %mul3A_77 = arith.muli %add3A_29, %mul3A_76 : i32
      %add3A_78 = arith.addi %mul3A_2, %mul3A_77 : i32
      "tpu.region"() ({
        %run_scoped3A = tpu.sem_alloc : memref<!tpu.dma_semaphore, #tpu.memory_space<semaphore_mem>>
        %dma_start3A_79 = arith.constant 0 : i32
        %dma_start3A_80 = tpu.memref_slice %arg4[%add3A_78, %dma_start3A_79] : memref<16384x64xf32, #tpu.memory_space<hbm>> -> memref<16x64xf32, #tpu.memory_space<hbm>>
        %dma_start3A_81 = arith.constant 0 : i32
        %dma_start3A_82 = tpu.memref_slice %arg4[%add3A_78, %dma_start3A_81] : memref<16384x64xf32, #tpu.memory_space<hbm>> -> memref<16x64xf32, #tpu.memory_space<hbm>>
        tpu.enqueue_dma source(%arg10 : memref<16x64xf32, #tpu.memory_space<vmem>>) target(%dma_start3A_82 : memref<16x64xf32, #tpu.memory_space<hbm>>) target_semaphore(%run_scoped3A : memref<!tpu.dma_semaphore, #tpu.memory_space<semaphore_mem>>)
        %dma_wait3A_83 = arith.constant 0 : i32
        %dma_wait3A_84 = tpu.memref_slice %arg4[%add3A_78, %dma_wait3A_83] : memref<16384x64xf32, #tpu.memory_space<hbm>> -> memref<16x64xf32, #tpu.memory_space<hbm>>
        %dma_wait3A_85 = arith.constant 0 : i32
        %dma_wait3A_86 = tpu.memref_slice %arg4[%add3A_78, %dma_wait3A_85] : memref<16384x64xf32, #tpu.memory_space<hbm>> -> memref<16x64xf32, #tpu.memory_space<hbm>>
        tpu.wait_dma2 semaphore(%run_scoped3A : memref<!tpu.dma_semaphore, #tpu.memory_space<semaphore_mem>>) src(%arg10 : memref<16x64xf32, #tpu.memory_space<vmem>>) dst(%dma_wait3A_86 : memref<16x64xf32, #tpu.memory_space<hbm>>)
        tpu.yield
      }) : () -> ()
    }
    %scan3A_24 = arith.constant 16 : i32
    return
  }
}

#map = affine_map<(d0, d1) -> (0, 0)>
#map1 = affine_map<(d0, d1) -> (0)>
module attributes {stable_mosaic.version = 14 : i64} {
  func.func @body(%arg0: i32, %arg1: i32, %arg2: memref<16384x64xf32, #tpu.memory_space<hbm>>, %arg3: memref<16384xi32, #tpu.memory_space<hbm>>, %arg4: memref<16384xi32, #tpu.memory_space<hbm>>, %arg5: memref<101x64xf32, #tpu.memory_space<hbm>>, %arg6: memref<100001x64xf32, #tpu.memory_space<hbm>>, %arg7: memref<16384x64xf32, #tpu.memory_space<hbm>>, %arg8: memref<16384x64xf32, #tpu.memory_space<hbm>>, %arg9: memref<512xi32, #tpu.memory_space<vmem>>, %arg10: memref<512xi32, #tpu.memory_space<vmem>>, %arg11: memref<512x64xf32, #tpu.memory_space<vmem>>, %arg12: memref<512x64xf32, #tpu.memory_space<vmem>>, %arg13: memref<!tpu.dma_semaphore, #tpu.memory_space<semaphore_mem>>, %arg14: memref<!tpu.dma_semaphore, #tpu.memory_space<semaphore_mem>>) attributes {dimension_semantics = [#tpu.dimension_semantics<core_parallel>, #tpu.dimension_semantics<subcore_parallel>], iteration_bounds = array<i64: 2, 16>, scalar_prefetch = 0 : i64, scratch_operands = 6 : i64, tpu.core_type = #tpu.core_type<sc_vector_subcore>, window_params = [{transform_indices = #map}, {transform_indices = #map1}, {transform_indices = #map1}, {transform_indices = #map}, {transform_indices = #map}, {transform_indices = #map}, {transform_indices = #map}]} {
    %mul3A = arith.constant 2 : i32
    %mul3A_0 = arith.muli %arg1, %mul3A : i32
    %add3A = arith.addi %mul3A_0, %arg0 : i32
    %mul3A_1 = arith.constant 512 : i32
    %mul3A_2 = arith.muli %add3A, %mul3A_1 : i32
    %dma_start3A = tpu.memref_slice %arg3[%mul3A_2] : memref<16384xi32, #tpu.memory_space<hbm>> -> memref<512xi32, #tpu.memory_space<hbm>>
    %dma_start3A_3 = tpu.memref_slice %arg3[%mul3A_2] : memref<16384xi32, #tpu.memory_space<hbm>> -> memref<512xi32, #tpu.memory_space<hbm>>
    tpu.enqueue_dma source(%dma_start3A_3 : memref<512xi32, #tpu.memory_space<hbm>>) target(%arg9 : memref<512xi32, #tpu.memory_space<vmem>>) target_semaphore(%arg13 : memref<!tpu.dma_semaphore, #tpu.memory_space<semaphore_mem>>)
    %dma_start3A_4 = tpu.memref_slice %arg4[%mul3A_2] : memref<16384xi32, #tpu.memory_space<hbm>> -> memref<512xi32, #tpu.memory_space<hbm>>
    %dma_start3A_5 = tpu.memref_slice %arg4[%mul3A_2] : memref<16384xi32, #tpu.memory_space<hbm>> -> memref<512xi32, #tpu.memory_space<hbm>>
    tpu.enqueue_dma source(%dma_start3A_5 : memref<512xi32, #tpu.memory_space<hbm>>) target(%arg10 : memref<512xi32, #tpu.memory_space<vmem>>) target_semaphore(%arg13 : memref<!tpu.dma_semaphore, #tpu.memory_space<semaphore_mem>>)
    %dma_wait3A = arith.constant 0 : i32
    %dma_wait3A_6 = tpu.memref_slice %arg3[%dma_wait3A] : memref<16384xi32, #tpu.memory_space<hbm>> -> memref<512xi32, #tpu.memory_space<hbm>>
    %dma_wait3A_7 = arith.constant 0 : i32
    %dma_wait3A_8 = tpu.memref_slice %arg3[%dma_wait3A_7] : memref<16384xi32, #tpu.memory_space<hbm>> -> memref<512xi32, #tpu.memory_space<hbm>>
    tpu.wait_dma2 semaphore(%arg13 : memref<!tpu.dma_semaphore, #tpu.memory_space<semaphore_mem>>) src(%dma_wait3A_8 : memref<512xi32, #tpu.memory_space<hbm>>) dst(%arg9 : memref<512xi32, #tpu.memory_space<vmem>>)
    %dma_wait3A_9 = arith.constant 0 : i32
    %dma_wait3A_10 = tpu.memref_slice %arg4[%dma_wait3A_9] : memref<16384xi32, #tpu.memory_space<hbm>> -> memref<512xi32, #tpu.memory_space<hbm>>
    %dma_wait3A_11 = arith.constant 0 : i32
    %dma_wait3A_12 = tpu.memref_slice %arg4[%dma_wait3A_11] : memref<16384xi32, #tpu.memory_space<hbm>> -> memref<512xi32, #tpu.memory_space<hbm>>
    tpu.wait_dma2 semaphore(%arg13 : memref<!tpu.dma_semaphore, #tpu.memory_space<semaphore_mem>>) src(%dma_wait3A_12 : memref<512xi32, #tpu.memory_space<hbm>>) dst(%arg10 : memref<512xi32, #tpu.memory_space<vmem>>)
    %dma_start3A_13 = arith.constant 0 : i32
    %dma_start3A_14 = arith.constant 0 : i32
    %dma_start3A_15 = tpu.memref_slice %arg5[%dma_start3A_13, %dma_start3A_14] : memref<101x64xf32, #tpu.memory_space<hbm>> -> memref<101x64xf32, #tpu.memory_space<hbm>>
    tpu.enqueue_indirect_dma source(%dma_start3A_15 : memref<101x64xf32, #tpu.memory_space<hbm>>) target(%arg11 : memref<512x64xf32, #tpu.memory_space<vmem>>) offsets(%arg9 : memref<512xi32, #tpu.memory_space<vmem>>) semaphore(%arg14 : memref<!tpu.dma_semaphore, #tpu.memory_space<semaphore_mem>>)
    %dma_start3A_16 = arith.constant 0 : i32
    %dma_start3A_17 = arith.constant 0 : i32
    %dma_start3A_18 = tpu.memref_slice %arg6[%dma_start3A_16, %dma_start3A_17] : memref<100001x64xf32, #tpu.memory_space<hbm>> -> memref<100001x64xf32, #tpu.memory_space<hbm>>
    tpu.enqueue_indirect_dma source(%dma_start3A_18 : memref<100001x64xf32, #tpu.memory_space<hbm>>) target(%arg12 : memref<512x64xf32, #tpu.memory_space<vmem>>) offsets(%arg10 : memref<512xi32, #tpu.memory_space<vmem>>) semaphore(%arg14 : memref<!tpu.dma_semaphore, #tpu.memory_space<semaphore_mem>>)
    %dma_wait3A_19 = arith.constant 0 : i32
    %dma_wait3A_20 = arith.constant 0 : i32
    %dma_wait3A_21 = tpu.memref_slice %arg5[%dma_wait3A_19, %dma_wait3A_20] : memref<101x64xf32, #tpu.memory_space<hbm>> -> memref<101x64xf32, #tpu.memory_space<hbm>>
    tpu.wait_indirect_dma semaphore(%arg14 : memref<!tpu.dma_semaphore, #tpu.memory_space<semaphore_mem>>) src(%dma_wait3A_21 : memref<101x64xf32, #tpu.memory_space<hbm>>) dst(%arg11 : memref<512x64xf32, #tpu.memory_space<vmem>>)
    %dma_wait3A_22 = arith.constant 0 : i32
    %dma_wait3A_23 = arith.constant 0 : i32
    %dma_wait3A_24 = tpu.memref_slice %arg6[%dma_wait3A_22, %dma_wait3A_23] : memref<100001x64xf32, #tpu.memory_space<hbm>> -> memref<100001x64xf32, #tpu.memory_space<hbm>>
    tpu.wait_indirect_dma semaphore(%arg14 : memref<!tpu.dma_semaphore, #tpu.memory_space<semaphore_mem>>) src(%dma_wait3A_24 : memref<100001x64xf32, #tpu.memory_space<hbm>>) dst(%arg12 : memref<512x64xf32, #tpu.memory_space<vmem>>)
    "tpu.region"() ({
      %run_scoped3A = tpu.sem_alloc : memref<!tpu.dma_semaphore, #tpu.memory_space<semaphore_mem>>
      %dma_start3A_25 = arith.constant 0 : i32
      %dma_start3A_26 = tpu.memref_slice %arg7[%mul3A_2, %dma_start3A_25] : memref<16384x64xf32, #tpu.memory_space<hbm>> -> memref<512x64xf32, #tpu.memory_space<hbm>>
      %dma_start3A_27 = arith.constant 0 : i32
      %dma_start3A_28 = tpu.memref_slice %arg7[%mul3A_2, %dma_start3A_27] : memref<16384x64xf32, #tpu.memory_space<hbm>> -> memref<512x64xf32, #tpu.memory_space<hbm>>
      tpu.enqueue_dma source(%arg11 : memref<512x64xf32, #tpu.memory_space<vmem>>) target(%dma_start3A_28 : memref<512x64xf32, #tpu.memory_space<hbm>>) target_semaphore(%run_scoped3A : memref<!tpu.dma_semaphore, #tpu.memory_space<semaphore_mem>>)
      %dma_wait3A_29 = arith.constant 0 : i32
      %dma_wait3A_30 = tpu.memref_slice %arg7[%mul3A_2, %dma_wait3A_29] : memref<16384x64xf32, #tpu.memory_space<hbm>> -> memref<512x64xf32, #tpu.memory_space<hbm>>
      %dma_wait3A_31 = arith.constant 0 : i32
      %dma_wait3A_32 = tpu.memref_slice %arg7[%mul3A_2, %dma_wait3A_31] : memref<16384x64xf32, #tpu.memory_space<hbm>> -> memref<512x64xf32, #tpu.memory_space<hbm>>
      tpu.wait_dma2 semaphore(%run_scoped3A : memref<!tpu.dma_semaphore, #tpu.memory_space<semaphore_mem>>) src(%arg11 : memref<512x64xf32, #tpu.memory_space<vmem>>) dst(%dma_wait3A_32 : memref<512x64xf32, #tpu.memory_space<hbm>>)
      tpu.yield
    }) : () -> ()
    "tpu.region"() ({
      %run_scoped3A = tpu.sem_alloc : memref<!tpu.dma_semaphore, #tpu.memory_space<semaphore_mem>>
      %dma_start3A_25 = arith.constant 0 : i32
      %dma_start3A_26 = tpu.memref_slice %arg8[%mul3A_2, %dma_start3A_25] : memref<16384x64xf32, #tpu.memory_space<hbm>> -> memref<512x64xf32, #tpu.memory_space<hbm>>
      %dma_start3A_27 = arith.constant 0 : i32
      %dma_start3A_28 = tpu.memref_slice %arg8[%mul3A_2, %dma_start3A_27] : memref<16384x64xf32, #tpu.memory_space<hbm>> -> memref<512x64xf32, #tpu.memory_space<hbm>>
      tpu.enqueue_dma source(%arg12 : memref<512x64xf32, #tpu.memory_space<vmem>>) target(%dma_start3A_28 : memref<512x64xf32, #tpu.memory_space<hbm>>) target_semaphore(%run_scoped3A : memref<!tpu.dma_semaphore, #tpu.memory_space<semaphore_mem>>)
      %dma_wait3A_29 = arith.constant 0 : i32
      %dma_wait3A_30 = tpu.memref_slice %arg8[%mul3A_2, %dma_wait3A_29] : memref<16384x64xf32, #tpu.memory_space<hbm>> -> memref<512x64xf32, #tpu.memory_space<hbm>>
      %dma_wait3A_31 = arith.constant 0 : i32
      %dma_wait3A_32 = tpu.memref_slice %arg8[%mul3A_2, %dma_wait3A_31] : memref<16384x64xf32, #tpu.memory_space<hbm>> -> memref<512x64xf32, #tpu.memory_space<hbm>>
      tpu.wait_dma2 semaphore(%run_scoped3A : memref<!tpu.dma_semaphore, #tpu.memory_space<semaphore_mem>>) src(%arg12 : memref<512x64xf32, #tpu.memory_space<vmem>>) dst(%dma_wait3A_32 : memref<512x64xf32, #tpu.memory_space<hbm>>)
      tpu.yield
    }) : () -> ()
    return
  }
}

module attributes {stable_mosaic.version = 14 : i64} {
  func.func @body(%arg0: i32, %arg1: memref<2048x64xf32, #tpu.memory_space<vmem>>, %arg2: memref<2048x50xi32, #tpu.memory_space<vmem>>, %arg3: memref<2048x64xf32, #tpu.memory_space<vmem>>, %arg4: memref<2048x64xf32, #tpu.memory_space<vmem>>, %arg5: memref<192x64xf32, #tpu.memory_space<vmem>>, %arg6: memref<1x64xf32, #tpu.memory_space<vmem>>, %arg7: memref<2048x64xf32, #tpu.memory_space<vmem>>) attributes {dimension_semantics = [#tpu.dimension_semantics<arbitrary>], iteration_bounds = array<i64: 8>, scalar_prefetch = 0 : i64, scratch_operands = 0 : i64, tpu.core_type = #tpu.core_type<tc>, window_params = [{transform_indices = @transform_0, window_bounds = array<i64: 2048, 64>}, {transform_indices = @transform_1, window_bounds = array<i64: 2048, 50>}, {transform_indices = @transform_2, window_bounds = array<i64: 2048, 64>}, {transform_indices = @transform_3, window_bounds = array<i64: 2048, 64>}, {pipeline_mode = #tpu.pipeline_mode<synchronous>, transform_indices = @transform_4, window_bounds = array<i64: 192, 64>}, {pipeline_mode = #tpu.pipeline_mode<synchronous>, transform_indices = @transform_5, window_bounds = array<i64: 1, 64>}, {transform_indices = @transform_6, window_bounds = array<i64: 2048, 64>}]} {
    %get3A = arith.constant 0 : index
    %get3A_0 = arith.constant 0 : index
    %get3A_1 = vector.load %arg2[%get3A, %get3A_0] : memref<2048x50xi32, #tpu.memory_space<vmem>>, vector<2048x50xi32>
    %ne3A = arith.constant 0 : i32
    %ne3A_2 = vector.broadcast %ne3A : i32 to vector<2048x50xi32>
    %ne3A_3 = arith.cmpi ne, %get3A_1, %ne3A_2 : vector<2048x50xi32>
    %convert_element_type3A = arith.extui %ne3A_3 : vector<2048x50xi1> to vector<2048x50xi32>
    %convert_element_type3A_4 = arith.sitofp %convert_element_type3A : vector<2048x50xi32> to vector<2048x50xf32>
    %reduce_sum3A = arith.constant dense<0.000000e+00> : vector<2048xf32>
    %reduce_sum3A_5 = vector.multi_reduction <add>, %convert_element_type3A_4, %reduce_sum3A [1] : vector<2048x50xf32> to vector<2048xf32>
    %broadcast_in_dim3A = vector.shape_cast %reduce_sum3A_5 : vector<2048xf32> to vector<2048x1xf32>
    %get3A_6 = arith.constant 0 : index
    %get3A_7 = arith.constant 0 : index
    %get3A_8 = vector.load %arg1[%get3A_6, %get3A_7] : memref<2048x64xf32, #tpu.memory_space<vmem>>, vector<2048x64xf32>
    %add3A = arith.constant 9.99999993E-9 : f32
    %add3A_9 = vector.broadcast %add3A : f32 to vector<2048x1xf32>
    %add3A_10 = arith.addf %broadcast_in_dim3A, %add3A_9 : vector<2048x1xf32>
    %div3A = vector.broadcast %add3A_10 : vector<2048x1xf32> to vector<2048x64xf32>
    %div3A_11 = arith.divf %get3A_8, %div3A : vector<2048x64xf32>
    %get3A_12 = arith.constant 0 : index
    %get3A_13 = arith.constant 0 : index
    %get3A_14 = vector.load %arg5[%get3A_12, %get3A_13] : memref<192x64xf32, #tpu.memory_space<vmem>>, vector<64x64xf32>
    %dot_general3A = arith.constant dense<0.000000e+00> : vector<2048x64xf32>
    %dot_general3A_15 = tpu.matmul %div3A_11, %get3A_14, %dot_general3A {dimension_numbers = #tpu.dot_dimension_numbers<[1], [0], [0], [1], [0, 0, 1, 1], [], []>, transpose_lhs_hint = false} : vector<2048x64xf32>, vector<64x64xf32>, vector<2048x64xf32> -> vector<2048x64xf32>
    %get3A_16 = arith.constant 0 : index
    %get3A_17 = arith.constant 0 : index
    %get3A_18 = vector.load %arg3[%get3A_16, %get3A_17] : memref<2048x64xf32, #tpu.memory_space<vmem>>, vector<2048x64xf32>
    %get3A_19 = arith.constant 64 : index
    %get3A_20 = arith.constant 0 : index
    %get3A_21 = vector.load %arg5[%get3A_19, %get3A_20] : memref<192x64xf32, #tpu.memory_space<vmem>>, vector<64x64xf32>
    %dot_general3A_22 = arith.constant dense<0.000000e+00> : vector<2048x64xf32>
    %dot_general3A_23 = tpu.matmul %get3A_18, %get3A_21, %dot_general3A_22 {dimension_numbers = #tpu.dot_dimension_numbers<[1], [0], [0], [1], [0, 0, 1, 1], [], []>, transpose_lhs_hint = false} : vector<2048x64xf32>, vector<64x64xf32>, vector<2048x64xf32> -> vector<2048x64xf32>
    %add3A_24 = arith.addf %dot_general3A_15, %dot_general3A_23 : vector<2048x64xf32>
    %get3A_25 = arith.constant 0 : index
    %get3A_26 = arith.constant 0 : index
    %get3A_27 = vector.load %arg4[%get3A_25, %get3A_26] : memref<2048x64xf32, #tpu.memory_space<vmem>>, vector<2048x64xf32>
    %get3A_28 = arith.constant 128 : index
    %get3A_29 = arith.constant 0 : index
    %get3A_30 = vector.load %arg5[%get3A_28, %get3A_29] : memref<192x64xf32, #tpu.memory_space<vmem>>, vector<64x64xf32>
    %dot_general3A_31 = arith.constant dense<0.000000e+00> : vector<2048x64xf32>
    %dot_general3A_32 = tpu.matmul %get3A_27, %get3A_30, %dot_general3A_31 {dimension_numbers = #tpu.dot_dimension_numbers<[1], [0], [0], [1], [0, 0, 1, 1], [], []>, transpose_lhs_hint = false} : vector<2048x64xf32>, vector<64x64xf32>, vector<2048x64xf32> -> vector<2048x64xf32>
    %add3A_33 = arith.addf %add3A_24, %dot_general3A_32 : vector<2048x64xf32>
    %get3A_34 = arith.constant 0 : index
    %get3A_35 = arith.constant 0 : index
    %get3A_36 = vector.load %arg6[%get3A_34, %get3A_35] : memref<1x64xf32, #tpu.memory_space<vmem>>, vector<1x64xf32>
    %add3A_37 = vector.broadcast %get3A_36 : vector<1x64xf32> to vector<2048x64xf32>
    %add3A_38 = arith.addf %add3A_33, %add3A_37 : vector<2048x64xf32>
    %max3A = arith.constant 0.000000e+00 : f32
    %max3A_39 = vector.broadcast %max3A : f32 to vector<2048x64xf32>
    %max3A_40 = arith.maximumf %add3A_38, %max3A_39 : vector<2048x64xf32>
    %swap3A = arith.constant 0 : index
    %swap3A_41 = arith.constant 0 : index
    %swap3A_42 = vector.load %arg7[%swap3A, %swap3A_41] : memref<2048x64xf32, #tpu.memory_space<vmem>>, vector<2048x64xf32>
    tpu.vector_store %arg7[%swap3A, %swap3A_41], %max3A_40 {strides = array<i32>} : memref<2048x64xf32, #tpu.memory_space<vmem>>, vector<2048x64xf32>,
    return
  }
  func.func @transform_0(%arg0: i32) -> (i32, i32) {
    %c0_i32 = arith.constant 0 : i32
    %c0_i32_0 = arith.constant 0 : i32
    return %arg0, %c0_i32 : i32, i32
  }
  func.func @transform_1(%arg0: i32) -> (i32, i32) {
    %c0_i32 = arith.constant 0 : i32
    %c0_i32_0 = arith.constant 0 : i32
    return %arg0, %c0_i32 : i32, i32
  }
  func.func @transform_2(%arg0: i32) -> (i32, i32) {
    %c0_i32 = arith.constant 0 : i32
    %c0_i32_0 = arith.constant 0 : i32
    return %arg0, %c0_i32 : i32, i32
  }
  func.func @transform_3(%arg0: i32) -> (i32, i32) {
    %c0_i32 = arith.constant 0 : i32
    %c0_i32_0 = arith.constant 0 : i32
    return %arg0, %c0_i32 : i32, i32
  }
  func.func @transform_4(%arg0: i32) -> (i32, i32) {
    %c0_i32 = arith.constant 0 : i32
    %c0_i32_0 = arith.constant 0 : i32
    %c0_i32_1 = arith.constant 0 : i32
    return %c0_i32, %c0_i32_0 : i32, i32
  }
  func.func @transform_5(%arg0: i32) -> (i32, i32) {
    %c0_i32 = arith.constant 0 : i32
    %c0_i32_0 = arith.constant 0 : i32
    %c0_i32_1 = arith.constant 0 : i32
    return %c0_i32, %c0_i32_0 : i32, i32
  }
  func.func @transform_6(%arg0: i32) -> (i32, i32) {
    %c0_i32 = arith.constant 0 : i32
    %c0_i32_0 = arith.constant 0 : i32
    return %arg0, %c0_i32 : i32, i32
  }
}

</mosaic_0001>

<sc_bundles>
// kernel: kernel.5.cloned.1.call-start
scs
__scs_entry_jumppad:
0x0: {  	(pc) =	sbr.rel $0x88, $3  }
0x1: {  	(tag) =	ssettag $0x0;
	lr =	simm.s32 $0x1  }
0x2: {  	[smem:$0x3F99] =	sst lr;
	_ =	strace $0xD0000000  }
0x3: {  	_ = 	snop  }
0x4: {  	_ = 	snop  }
0x5: {  	_ = 	snop  }
0x6: {  	_ = 	snop  }
0x7: {  	_ = 	snop  }
__scs_overlays_trampoline_lowered:
0x8: {  	[smem:$0x3FA8] =	sst s0  }
0x9: {  	[smem:$0x3FA9] =	sst s1  }
0xa: {  	[smem:$0x3FAA] =	sst s2  }
0xb: {  	[smem:$0x3FAB] =	sst s3  }
0xc: {  	[smem:$0x3FAC] =	sst s4  }
0xd: {  	[smem:$0x3FAD] =	sst s5  }
0xe: {  	[smem:$0x3FAE] =	sst s6  }
0xf: {  	[smem:$0x3FAF] =	sst s7  }
0x10: {  	[smem:$0x3FB0] =	sst s8  }
0x11: {  	[smem:$0x3FB1] =	sst s9;
	s0 =	simm.s32 @!p0 $0x0  }
0x12: {  	s1 =	sld [smem:$0x3F97];
	s0 =	simm.s32 @p0 $0x1  }
0x13: {  	[smem:$0x3FB2] =	sst s0;
	s0 =	simm.s32 @!p1 $0x0  }
0x14: {  	s2 =	sld [smem:$0x3F96];
	s0 =	simm.s32 @p1 $0x1  }
0x15: {  	[smem:$0x3FB3] =	sst s0;
	s0 =	simm.s32 @!p2 $0x0  }
0x16: {  	s3 =	sld [smem:$0x3FDB];
	s0 =	simm.s32 @p2 $0x1  }
0x17: {  	s4 =	simm.s32 $0x1BF5;
	[smem:$0x3FB5] =	sst s0  }
0x18: {  	s0 =	sld [smem:$0x3F98];
	_ =	swait.ge [sflag:s4], $0x0  }
0x19: {  	s7 =	sld [smem:$0x3F99]  }
0x1a: {  	s8 =	sadd.s32 $0xFFFFE003, lr  }
0x1b: {  	s9 =	sadd.s32 $0xFFFFFEF7, lr;
	s5 =	simm.s32 $0xFFFFFFFF;
	p2 =	slt.u32 s8, $0xFFFFF086  }
0x1c: {  	p1 =	slt.u32 s9, $0xF7A;
	s5 =	simm.s32 @!p2 $0x0  }
0x1d: {  	s5 =	simm.s32 @p1 $0x1;
	p0 =	seq.s32 s7, s2  }
0x1e: {  	s7 =	smul.u32 @!p0 $0xF7A, s2;
	p2 =	seq.s32 @!p0 s5, $0x0  }
0x1f: {  	s9 =	smul.u32 $0xF7A, s1;
	s8 =	simm.s32 @!p0 $0x1BF5;
	p2 =	por !p2, p0  }
0x20: {  	[sflag:s8] =	ssyncset.s32 @!p0 $0xFFFFF086;
	s6 =	sadd.s32 @!p0 s3, s7;
	s7 =	simm.s32 @!p0 $0x108  }
0x21: {  	s3 =	sadd.s32 s3, s9;
	s6 =	sadd.s32 @!p0 $0x88, s6;
	s7 =	simm.s32 @p2 $0x1082  }
0x22: {  	[simem:s7], [sflag:s8] =	dma.local @!p0 [hbm:s6], $0xF7A  }
0x23: {  	s9 =	sor.u32 $0xD0000000, s2;
	s6 =	simm.s32 $0x108;
	_ =	swait.ge @!p0 [sflag:s8], $0x0  }
0x24: {  	s3 =	sadd.s32 $0x88, s3;
	s6 =	simm.s32 @!p1 $0x1082;
	[sflag:s4] =	ssyncset.s32 $0xFFFFF086  }
0x25: {  	[simem:s6], [sflag:s4] =	dma.local [hbm:s3], $0xF7A  }
0x26: {  	[smem:$0x3F99] =	sst s1;
	(tag) =	ssettag s2;
	_ =	strace s9  }
0x27: {  	s1 =	sld [smem:$0x3FA9]  }
0x28: {  	s2 =	sld [smem:$0x3FAA]  }
0x29: {  	s4 =	sld [smem:$0x3FAC]  }
0x2a: {  	p0 =	seq.s32 s5, $0x0;
	s5 =	sld [smem:$0x3FAD]  }
0x2b: {  	s6 =	sld [smem:$0x3FAE]  }
0x2c: {  	s7 =	sld [smem:$0x3FAF]  }
0x2d: {  	s3 =	simm.s32 $0x108;
	s8 =	sld [smem:$0x3FB0]  }
0x2e: {  	s3 =	simm.s32 @!p0 $0x1082;
	s9 =	sld [smem:$0x3FB1]  }
0x2f: {  	lr =	sadd.s32 s0, s3;
	s0 =	sld [smem:$0x3FA8]  }
0x30: {  	s3 =	sld [smem:$0x3FAB]  }
0x31: {  	[smem:$0x3FB4] =	sst s10  }
0x32: {  	s10 =	sld [smem:$0x3FB2];
	_ =	sdelay $0x3  }
0x33: {  	p0 =	seq.s32 s10, $0x1;
	s10 =	sld [smem:$0x3FB4];
	_ =	sdelay $0x3  }
0x34: {  	[smem:$0x3FB4] =	sst s10  }
0x35: {  	s10 =	sld [smem:$0x3FB3];
	_ =	sdelay $0x3  }
0x36: {  	p1 =	seq.s32 s10, $0x1;
	s10 =	sld [smem:$0x3FB4];
	_ =	sdelay $0x3  }
0x37: {  	[smem:$0x3FB4] =	sst s10  }
0x38: {  	s10 =	sld [smem:$0x3FB5]  }
0x39: {  	_ = 	snop;
	(pc) =	sbr.ind lr, $3  }
0x3a: {  	_ = 	snop  }
0x3b: {  	_ = 	snop  }
0x3c: {  	p2 =	seq.s32 s10, $0x1;
	s10 =	sld [smem:$0x3FB4]  }
0x3d: {  	_ =	shalt  }
0x3e: {  	_ =	shalt  }
0x3f: {  	_ =	shalt  }
0x40: {  	_ =	shalt  }
0x41: {  	_ =	shalt  }
0x42: {  	_ =	shalt  }
0x43: {  	_ =	shalt  }
0x44: {  	_ =	shalt  }
0x45: {  	_ =	shalt  }
0x46: {  	_ =	shalt  }
0x47: {  	_ =	shalt  }
0x48: {  	_ =	shalt  }
0x49: {  	_ =	shalt  }
0x4a: {  	_ =	shalt  }
0x4b: {  	_ =	shalt  }
0x4c: {  	_ =	shalt  }
0x4d: {  	_ =	shalt  }
0x4e: {  	_ =	shalt  }
0x4f: {  	_ =	shalt  }
0x50: {  	_ =	shalt  }
0x51: {  	_ =	shalt  }
0x52: {  	_ =	shalt  }
0x53: {  	_ =	shalt  }
0x54: {  	_ =	shalt  }
0x55: {  	_ =	shalt  }
0x56: {  	_ =	shalt  }
0x57: {  	_ =	shalt  }
0x58: {  	_ =	shalt  }
0x59: {  	_ =	shalt  }
0x5a: {  	_ =	shalt  }
0x5b: {  	_ =	shalt  }
0x5c: {  	_ =	shalt  }
0x5d: {  	_ =	shalt  }
0x5e: {  	_ =	shalt  }
0x5f: {  	_ =	shalt  }
0x60: {  	_ =	shalt  }
0x61: {  	_ =	shalt  }
0x62: {  	_ =	shalt  }
0x63: {  	_ =	shalt  }
0x64: {  	_ =	shalt  }
0x65: {  	_ =	shalt  }
0x66: {  	_ =	shalt  }
0x67: {  	_ =	shalt  }
0x68: {  	_ =	shalt  }
0x69: {  	_ =	shalt  }
0x6a: {  	_ =	shalt  }
0x6b: {  	_ =	shalt  }
0x6c: {  	_ =	shalt  }
0x6d: {  	_ =	shalt  }
0x6e: {  	_ =	shalt  }
0x6f: {  	_ =	shalt  }
0x70: {  	_ =	shalt  }
0x71: {  	_ =	shalt  }
0x72: {  	_ =	shalt  }
0x73: {  	_ =	shalt  }
0x74: {  	_ =	shalt  }
0x75: {  	_ =	shalt  }
0x76: {  	_ =	shalt  }
0x77: {  	_ =	shalt  }
0x78: {  	_ =	shalt  }
0x79: {  	_ =	shalt  }
0x7a: {  	_ =	shalt  }
0x7b: {  	_ =	shalt  }
0x7c: {  	_ =	shalt  }
0x7d: {  	_ =	shalt  }
0x7e: {  	_ =	shalt  }
0x7f: {  	_ =	shalt  }
0x80: {  	_ =	shalt  }
0x81: {  	_ =	shalt  }
0x82: {  	_ =	shalt  }
0x83: {  	_ =	shalt  }
0x84: {  	_ =	shalt  }
0x85: {  	_ =	shalt  }
0x86: {  	_ =	shalt  }
0x87: {  	_ =	shalt  }
.Lfunc_end0:
.L_simem_size_0:
called_computation_lowered:
.L_overlay_start_0:
0x88: {  	s2 =	sld [smem:$0x3FD9]  }
0x89: {  	s3 =	sld [smem:$0x3FFE];
	_ =	sdelay $0x1  }
0x8a: {  	s1 =	srdreg.scid  }
0x8b: {  	s0 =	sand.u32 $0x1, s1  }
0x8c: {  	s17 =	sshll.u32 s0, $0xA;
	s2 =	sadd.s32 s3, s2  }
0x8d: {  	s2 =	sadd.s32 s2, s17  }
0x8e: {  	[smem:$0x3FC0] =	sst s2  }
0x8f: {  	_ = 	snop  }
0x90: {  	s2 =	sld [smem:$0x3FD0];
	(tm) =	ssettm $0x1  }
0x91: {  	s18 =	sld [smem:$0x3FFB];
	_ =	sdelay $0x3  }
0x92: {  	_ =	strace s18  }
0x93: {  	s3 =	sld [smem:$0x3FFC];
	_ =	sdelay $0x3  }
0x94: {  	_ =	strace s3  }
0x95: {  	s3 =	sld [smem:$0x3FFD];
	_ =	sdelay $0x3  }
0x96: {  	_ =	strace s3  }
0x97: {  	_ =	strace $0x8FFFFFFF  }
0x98: {  	s19 =	sld [smem:$0x3FDB];
	_ =	sdelay $0x1  }
0x99: {  	s4 =	simm.s32 $_scs_section_size  }
0x9a: {  	s5 =	simm.s32 $_size__tile_overlayer_lowered;
	s6 =	simm.s32 $_tile_overlayer_lowered  }
0x9b: {  	s22 =	simm.s32 $0x1BFF;
	s21 =	sshll.u32 s6, $0x1;
	s3 =	sadd.s32 s4, s19  }
0x9c: {  	s7 =	simm.s32 $0x0;
	s20 =	sshll.u32 s5, $0x1;
	s5 =	sadd.s32 s21, s3  }
0x9d: {  	[timem:s7], [sflag:s22] =	dma.local [hbm:s5], s20  }
0x9e: {  	_ =	swait.ge [sflag:s22], s20  }
0x9f: {  	s4 =	ssub.s32 $0x0, s20;
	[sflag:s22] =	ssyncset.done $0x0  }
0xa0: {  	[sflag:s22] =	ssyncadd.s32 s4;
	_ =	sdelay $0x1  }
0xa1: {  	s23 =	simm.s32 $0x1B8B  }
0xa2: {  	_ =	swait.ge [sflag:s23], $0x1  }
0xa3: {  	[sflag:s23] =	ssyncset.done $0x0  }
0xa4: {  	s25 =	simm.s32 $0x1B8E;
	s24 =	sld [smem:$0x3FFE];
	[sflag:s23] =	ssyncadd.s32 $0xFFFFFFFF  }
0xa5: {  	s26 =	simm.s32 $execute0_lowered;
	[smem:$0x3FD2] =	sst s25  }
0xa6: {  	s5 =	sshll.u32 s26, $0x1;
	_ =	strace $0x80000046;
	[dreg:$0x1] =	wrdreg $0xFFFFFFFF  }
0xa7: {  	s28 =	simm.s32 $_size_execute0_lowered;
	s3 =	sadd.s32 s3, s5;
	[dreg:$0x0] =	wrdreg $0x0  }
0xa8: {  	s5 =	sshll.u32 s28, $0x1;
	[dreg:$0x2] =	wrdreg s3  }
0xa9: {  	[dreg:$0x3] =	wrdreg s5  }
0xaa: {  	[dreg:$0x4] =	wrdreg $0xC0  }
0xab: {  	_ =	task [dreg:s7], $0x5FFFF  }
0xac: {  	[dreg:$0x1] =	wrdreg $0xFFFFFFFF  }
0xad: {  	[dreg:$0x0] =	wrdreg $0x60  }
0xae: {  	[dreg:$0x2] =	wrdreg s2  }
0xaf: {  	[dreg:$0x3] =	wrdreg s24  }
0xb0: {  	[dreg:$0x4] =	wrdreg $0x9  }
0xb1: {  	_ =	task.clear_ibuf [dreg:s7], $0x5FFFF;
	_ =	strace $0x90000046  }
0xb2: {  	s29 =	simm.s32 $0x9;
	_ =	strace $0x80000048  }
0xb3: {  	_ =	swait.ge [sflag:s29], $0x1  }
0xb4: {  	[sflag:s29] =	ssyncadd.s32 $0xFFFFFFFF  }
0xb5: {  	_ =	strace $0x90000048  }
0xb6: {  	_ =	sfence  }
0xb7: {  	s30 =	sld [smem:$0x0];
	_ =	sdelay $0x2  }
0xb8: {  	s31 =	sshll.u32 s1, $0xD;
	s1 =	sshrl.u32 s1, $0x2  }
0xb9: {  	s3 =	sand.u32 $0x4000, s31;
	s1 =	sadd.s32 s1, s30  }
0xba: {  	s0 =	sor.u32 s3, s0;
	s1 =	sshll.u32 s1, $0x11  }
0xbb: {  	s0 =	sor.u32 s1, s0  }
0xbc: {  	s0 =	sadd.s32 $0x8F2B, s0  }
0xbd: {  	[sflag:s0] =	ssyncadd.remote.s32 $0x1  }
0xbe: {  	_ =	sfence.sel $0xFFFF  }
0xbf: {  	[dreg:$0x0] =	wrdreg $0xFFFFFFFF;
	(pc) =	sbr.abs _section_cstart, $3  }
0xc0: {  	[dreg:$0x1] =	wrdreg $0xFFFFFFFF  }
0xc1: {  	_ =	task.clear_ibuf [dreg:s7], $0x2FFFF;
	_ =	strace $0x9FFFFFFF  }
0xc2: {  	(tm) =	ssettm $0x7FFFFFFF  }
0xc3: {  	_ =	shalt  }
tec
execute0_lowered:
.L_overlay_start_1:
0x0: {  	(tag) =	ssettag $0x1  }
0x1: {  	s2 =	rddreg [dreg:$0x0]  }
0x2: {  	s5 =	rddreg [dreg:$0x1]  }
0x3: {  	s0 =	rddreg [dreg:$0x2]  }
0x4: {  	s4 =	srdreg.scid;
	s1 =	stileid.u32  }
0x5: {  	s3 =	simm.s32 $0x0;
	s13 =	simm.s32 $0x1;
	s14 =	simm.s32 $0x320  }
0x6: {  	s15 =	simm.s32 $0x640;
	s16 =	simm.s32 $0x2;
	s17 =	simm.s32 $0xCE40  }
0x7: {  	s18 =	simm.s32 $0x3;
	s19 =	simm.s32 $0x19640;
	s20 =	simm.s32 $0x5  }
0x8: {  	s21 =	simm.s32 $0x19A40;
	s22 =	simm.s32 $0x0;
	s4 =	sand.u32 $0x1, s4  }
0x9: {  	s6 =	sshll.u32 s1, $0x1;
	[smem:$0x7FF] =	sst s3;
	s7 =	ssub.s32 $0x2, s4  }
0xa: {  	s8 =	sor.u32 s4, s6;
	_ =	strace $0x80000047;
	s4 =	sadd.s32 $0x1CDE00, s5  }
0xb: {  	s5 =	sadd.s32 $0x43400, s5;
	s31 =	sshrl.u32 s7, $0x1;
	s9 =	smul.u32 $0xC80, s8  }
0xc: {  	s6 =	sshll.u32 s8, $0x9;
	s10 =	sshll.u32 s8, $0xC;
	s12 =	ssub.s32 s7, s31  }
0xd: {  	s10 =	sadd.s32 s5, s10;
	s11 =	sor.u32 $0x30, s6;
	s7 =	sadd.s32 s2, s9  }
0xe: {  	s9 =	sor.u32 $0x20, s6;
	s12 =	smax.u32 s12, $0x1;
	s8 =	sadd.s32 $0x64, s7  }
.LBB2_1:
0xf: {  	[tilespmem:s3], [sflag:$0x1] =	stream.linear.gather [hbm4b:s7+s3], $0x320, $0x38;
	[tilespmem:$0x19E40] =	vst v63  }
0x10: {  	_ =	swait.ge [sflag:s13], $0x320  }
0x11: {  	[sflag:s13] =	ssyncset.done $0x0  }
0x12: {  	[sflag:s13] =	ssyncadd.s32 $0xFFFFFCE0  }
0x13: {  	[tilespmem:s15], [sflag:$0x3] =	stream.indirect.gather [hbm4b:s4+s14], $0x40, s3, s14, $0xb8;
	[tilespmem:$0x19E40] =	vst v63  }
0x14: {  	s23 =	simm.s32 $0x0  }
0x15: {  	[tilespmem:s14], [sflag:$0x2] =	stream.linear.gather [hbm4b:s8+s3], $0x320, $0x38;
	[tilespmem:$0x19E40] =	vst v63  }
.LBB2_2:
0x16: {  	_ =	swait.ge [sflag:s16], $0x320;
	s24 =	sshll.u32 s23, $0x5;
	p0 =	seq.s32 s23, $0xF  }
0x17: {  	[sflag:s16] =	ssyncset.done $0x0;
	s25 =	sadd.s32 @!p0 s24, s9  }
0x18: {  	[sflag:s16] =	ssyncadd.s32 $0xFFFFFCE0;
	s25 =	smul.u32 @!p0 $0x32, s25  }
0x19: {  	[tilespmem:s17], [sflag:$0x4] =	stream.indirect.gather [hbm4b:s4+s14], $0x40, s14, s14, $0xb8;
	[tilespmem:$0x19E40] =	vst v63  }
0x1a: {  	_ =	swait.ge [sflag:s18], $0xC800  }
0x1b: {  	s25 =	sshrl.u32 @!p0 s25, $0x3;
	[sflag:s18] =	ssyncset.done $0x0  }
0x1c: {  	s26 =	simm.s32 @!p0 $0x0;
	s25 =	sadd.s32 @!p0 s2, s25;
	[sflag:s18] =	ssyncadd.s32 $0xFFFF3800  }
0x1d: {  	[tilespmem:s26], [sflag:$0x1] =	stream.linear.gather @!p0 [hbm4b:s25+s26], $0x320, $0x38;
	[tilespmem:$0x19E40] =	vst v63  }
0x1e: {  	s25 =	simm.s32 $0x0;
	s26 =	simm.s32 $0x780  }
.LBB2_3:
0x1f: {  	v0 =	vld [tilespmem:s26+$0x100]  }
0x20: {  	v1 =	vld [tilespmem:s26+$0x110]  }
0x21: {  	v2 =	vld [tilespmem:s26+$0xC0]  }
0x22: {  	v3 =	vld [tilespmem:s26+$0xD0]  }
0x23: {  	v9 =	vld [tilespmem:s26+$0x80]  }
0x24: {  	v12 =	vld [tilespmem:s26+$0x90]  }
0x25: {  	v6 =	vld [tilespmem:s26+$0x40]  }
0x26: {  	v8 =	vld [tilespmem:s26+$0x50]  }
0x27: {  	v5 =	vld [tilespmem:s26+$0x0]  }
0x28: {  	v7 =	vld [tilespmem:s26+$0x10]  }
0x29: {  	v4 =	vld [tilespmem:s26+$0xFFFFFFC0]  }
0x2a: {  	v10 =	vld [tilespmem:s26+$0xFFFFFFD0]  }
0x2b: {  	v11 =	vld [tilespmem:s26+$0xFFFFFF80]  }
0x2c: {  	v13 =	vld [tilespmem:s26+$0xFFFFFF90]  }
0x2d: {  	v14 =	vld [tilespmem:s26+$0xFFFFFF40]  }
0x2e: {  	v15 =	vld [tilespmem:s26+$0xFFFFFF50]  }
0x2f: {  	v16 =	vld [tilespmem:s26+$0xFFFFFF00]  }
0x30: {  	v17 =	vld [tilespmem:s26+$0xFFFFFF10]  }
0x31: {  	v18 =	vld [tilespmem:s26+$0xFFFFFEC0]  }
0x32: {  	v19 =	vld [tilespmem:s26+$0xFFFFFED0]  }
0x33: {  	v20 =	vld [tilespmem:s26+$0xFFFFFEE0]  }
0x34: {  	v21 =	vld [tilespmem:s26+$0xFFFFFEF0]  }
0x35: {  	v22 =	vld [tilespmem:s26+$0xFFFFFF20]  }
0x36: {  	v23 =	vld [tilespmem:s26+$0xFFFFFF30]  }
0x37: {  	v24 =	vimm.f32 $0.0e+00;
	v25 =	vld [tilespmem:s26+$0xFFFFFF60]  }
0x38: {  	v26 =	vld [tilespmem:s26+$0xFFFFFF70];
	v18 =	vadd.f32 v18, v24;
	v19 =	vadd.f32 v19, v24  }
0x39: {  	v51 =	vld [tilespmem:s26+$0xFFFFFFA0];
	v20 =	vadd.f32 v20, v24;
	v21 =	vadd.f32 v21, v24  }
0x3a: {  	v52 =	vld [tilespmem:s26+$0xFFFFFFB0];
	v16 =	vadd.f32 v16, v18;
	v17 =	vadd.f32 v17, v19  }
0x3b: {  	v55 =	vld [tilespmem:s26+$0xFFFFFFE0];
	v53 =	vadd.f32 v22, v20;
	v54 =	vadd.f32 v23, v21  }
0x3c: {  	v56 =	vld [tilespmem:s26+$0xFFFFFFF0];
	v14 =	vadd.f32 v14, v16;
	v15 =	vadd.f32 v15, v17  }
0x3d: {  	v59 =	vld [tilespmem:s26+$0x20];
	v57 =	vadd.f32 v25, v53;
	v58 =	vadd.f32 v26, v54  }
0x3e: {  	v11 =	vadd.f32 v11, v14;
	v13 =	vadd.f32 v13, v15;
	v14 =	vld [tilespmem:s26+$0x30]  }
0x3f: {  	v61 =	vld [tilespmem:s26+$0x60];
	v15 =	vadd.f32 v51, v57;
	v60 =	vadd.f32 v52, v58  }
0x40: {  	v11 =	vadd.f32 v4, v11;
	v10 =	vadd.f32 v10, v13;
	v13 =	vld [tilespmem:s26+$0x70]  }
0x41: {  	v15 =	vadd.f32 v55, v15;
	v16 =	vadd.f32 v56, v60;
	v4 =	vld [tilespmem:s26+$0xA0]  }
0x42: {  	v11 =	vadd.f32 v5, v11;
	v10 =	vadd.f32 v7, v10;
	v7 =	vld [tilespmem:s26+$0xB0]  }
0x43: {  	v15 =	vadd.f32 v59, v15;
	v5 =	vld [tilespmem:s26+$0xE0];
	v14 =	vadd.f32 v14, v16  }
0x44: {  	v62 =	vadd.f32 v6, v11;
	v63 =	vadd.f32 v8, v10;
	v8 =	vld [tilespmem:s26+$0xF0]  }
0x45: {  	v11 =	vadd.f32 v61, v15;
	v6 =	vld [tilespmem:s26+$0x120];
	v10 =	vadd.f32 v13, v14  }
0x46: {  	s28 =	simm.s32 $0x0;
	s29 =	sadd.s32 $0x280, s26;
	v13 =	vadd.f32 v9, v62;
	v12 =	vadd.f32 v12, v63;
	v9 =	vld [tilespmem:s26+$0x130]  }
.LBB2_4:
0x47: {  	v14 =	vld [tilespmem:s29+$0x100];
	v4 =	vadd.f32 v4, v11;
	v7 =	vadd.f32 v7, v10  }
0x48: {  	v10 =	vld [tilespmem:s29+$0x110];
	v11 =	vadd.f32 v2, v13;
	v12 =	vadd.f32 v3, v12  }
0x49: {  	v2 =	vld [tilespmem:s29+$0xC0];
	v4 =	vadd.f32 v5, v4;
	v5 =	vadd.f32 v8, v7  }
0x4a: {  	v3 =	vld [tilespmem:s29+$0xD0];
	v7 =	vadd.f32 v0, v11;
	v8 =	vadd.f32 v1, v12  }
0x4b: {  	v12 =	vld [tilespmem:s29+$0x80];
	v4 =	vadd.f32 v6, v4;
	v5 =	vadd.f32 v9, v5  }
0x4c: {  	v9 =	vld [tilespmem:s29+$0x90];
	v0 =	vmov v14  }
0x4d: {  	v6 =	vld [tilespmem:s29+$0x40];
	v1 =	vmov v10  }
0x4e: {  	v10 =	vld [tilespmem:s29+$0x50]  }
0x4f: {  	v11 =	vld [tilespmem:s29+$0x0]  }
0x50: {  	v13 =	vld [tilespmem:s29+$0x10]  }
0x51: {  	v14 =	vld [tilespmem:s29+$0xFFFFFFC0]  }
0x52: {  	v15 =	vld [tilespmem:s29+$0xFFFFFFD0]  }
0x53: {  	v16 =	vld [tilespmem:s29+$0xFFFFFF80]  }
0x54: {  	v17 =	vld [tilespmem:s29+$0xFFFFFF90]  }
0x55: {  	v18 =	vld [tilespmem:s29+$0xFFFFFF40]  }
0x56: {  	v19 =	vld [tilespmem:s29+$0xFFFFFF50]  }
0x57: {  	v20 =	vld [tilespmem:s29+$0xFFFFFF00]  }
0x58: {  	v21 =	vld [tilespmem:s29+$0xFFFFFF10]  }
0x59: {  	v22 =	vld [tilespmem:s29+$0xFFFFFEC0]  }
0x5a: {  	v23 =	vld [tilespmem:s29+$0xFFFFFED0]  }
0x5b: {  	v24 =	vld [tilespmem:s29+$0xFFFFFEE0]  }
0x5c: {  	s28 =	sadd.s32 $0xA, s28;
	v25 =	vld [tilespmem:s29+$0xFFFFFEF0]  }
0x5d: {  	p0 =	slt.u32 s28, $0x28;
	v26 =	vld [tilespmem:s29+$0xFFFFFF20]  }
0x5e: {  	v27 =	vld [tilespmem:s29+$0xFFFFFF30]  }
0x5f: {  	v28 =	vld [tilespmem:s29+$0xFFFFFF60]  }
0x60: {  	v7 =	vadd.f32 v22, v7;
	v8 =	vadd.f32 v23, v8;
	v22 =	vld [tilespmem:s29+$0xFFFFFF70]  }
0x61: {  	v4 =	vadd.f32 v24, v4;
	v5 =	vadd.f32 v25, v5;
	v23 =	vld [tilespmem:s29+$0xFFFFFFA0]  }
0x62: {  	v7 =	vadd.f32 v20, v7;
	v8 =	vadd.f32 v21, v8;
	v20 =	vld [tilespmem:s29+$0xFFFFFFB0]  }
0x63: {  	v4 =	vadd.f32 v26, v4;
	v5 =	vadd.f32 v27, v5;
	v21 =	vld [tilespmem:s29+$0xFFFFFFE0]  }
0x64: {  	v7 =	vadd.f32 v18, v7;
	v8 =	vadd.f32 v19, v8;
	v18 =	vld [tilespmem:s29+$0xFFFFFFF0]  }
0x65: {  	v4 =	vadd.f32 v28, v4;
	v5 =	vadd.f32 v22, v5;
	v19 =	vld [tilespmem:s29+$0x20]  }
0x66: {  	v7 =	vadd.f32 v16, v7;
	v8 =	vadd.f32 v17, v8;
	v16 =	vld [tilespmem:s29+$0x30]  }
0x67: {  	v4 =	vadd.f32 v23, v4;
	v5 =	vadd.f32 v20, v5;
	v17 =	vld [tilespmem:s29+$0x60]  }
0x68: {  	v7 =	vadd.f32 v14, v7;
	v8 =	vadd.f32 v15, v8;
	v14 =	vld [tilespmem:s29+$0x70]  }
0x69: {  	v15 =	vadd.f32 v21, v4;
	v5 =	vadd.f32 v18, v5;
	v4 =	vld [tilespmem:s29+$0xA0]  }
.Ltmp0:
0x6a: {  	v11 =	vadd.f32 v11, v7;
	v8 =	vadd.f32 v13, v8;
	v7 =	vld [tilespmem:s29+$0xB0];
	(pc) =	sbr.rel @p0 .LBB2_4-.Ltmp0, $4  }
0x6b: {  	v13 =	vadd.f32 v19, v15;
	v15 =	vadd.f32 v16, v5;
	v5 =	vld [tilespmem:s29+$0xE0]  }
0x6c: {  	v16 =	vadd.f32 v6, v11;
	v18 =	vadd.f32 v10, v8;
	v8 =	vld [tilespmem:s29+$0xF0]  }
0x6d: {  	v11 =	vadd.f32 v17, v13;
	v10 =	vadd.f32 v14, v15;
	v6 =	vld [tilespmem:s29+$0x120]  }
0x6e: {  	v13 =	vadd.f32 v12, v16;
	v12 =	vadd.f32 v9, v18;
	v9 =	vld [tilespmem:s29+$0x130];
	s29 =	sadd.s32 $0x280, s29  }
0x6f: {  	_ = 	snop  }
0x70: {  	v4 =	vadd.f32 v4, v11;
	v2 =	vadd.f32 v2, v13  }
0x71: {  	v7 =	vadd.f32 v7, v10;
	s28 =	sshll.u32 s25, $0x6;
	s25 =	sadd.s32 $0x1, s25;
	v3 =	vadd.f32 v3, v12  }
0x72: {  	p0 =	sne.s32 s25, $0x10;
	v4 =	vadd.f32 v5, v4;
	v0 =	vadd.f32 v0, v2  }
.Ltmp1:
0x73: {  	s28 =	sand.u32 $0x3FFFFFC0, s28;
	v61 =	vadd.f32 v8, v7;
	v1 =	vadd.f32 v1, v3;
	(pc) =	sbr.rel @p0 .LBB2_3-.Ltmp1, $4  }
0x74: {  	v62 =	vadd.f32 v6, v4;
	[tilespmem:s28+$0x19640] =	vst v0  }
0x75: {  	v63 =	vadd.f32 v9, v61;
	[tilespmem:s28+$0x19650] =	vst v1  }
0x76: {  	[tilespmem:s28+$0x19660] =	vst v62  }
0x77: {  	s26 =	sadd.s32 $0xC80, s26;
	[tilespmem:s28+$0x19670] =	vst v63  }
0x78: {  	s25 =	sshll.u32 s23, $0x8  }
0x79: {  	s25 =	sadd.s32 s25, s10  }
0x7a: {  	[hbm4b:s25+s3] =	stream.linear.scatter [tilespmem:s19], [sflag:$0x5], $0x400, $0x38;
	[tilespmem:$0x19E40] =	vst v63  }
0x7b: {  	_ =	swait.ge [sflag:s20], $0x400  }
0x7c: {  	p0 =	sne.s32 s23, $0xF;
	[sflag:s20] =	ssyncset.done $0x0  }
0x7d: {  	s25 =	simm.s32 @p0 $0x1;
	[sflag:s20] =	ssyncadd.s32 $0xFFFFFC00  }
0x7e: {  	_ =	swait.ge @p0 [sflag:s25], $0x320  }
0x7f: {  	s26 =	simm.s32 @p0 $0x0;
	[sflag:s25] =	ssyncset.done @p0 $0x0  }
0x80: {  	s28 =	simm.s32 @p0 $0x640;
	[sflag:s25] =	ssyncadd.s32 @p0 $0xFFFFFCE0;
	s25 =	simm.s32 @p0 $0x320  }
0x81: {  	[tilespmem:s28], [sflag:$0x3] =	stream.indirect.gather @p0 [hbm4b:s4+s25], $0x40, s26, s25, $0xb8;
	[tilespmem:$0x19E40] =	vst v63  }
0x82: {  	s28 =	sadd.s32 @p0 s24, s11  }
0x83: {  	s29 =	simm.s32 @p0 $0x4;
	s28 =	smul.u32 @p0 $0x32, s28  }
0x84: {  	_ =	swait.ge @p0 [sflag:s29], $0xC800  }
0x85: {  	[sflag:s29] =	ssyncset.done @p0 $0x0;
	s28 =	sshrl.u32 @p0 s28, $0x3  }
0x86: {  	[sflag:s29] =	ssyncadd.s32 @p0 $0xFFFF3800;
	s28 =	sadd.s32 @p0 s2, s28  }
0x87: {  	[tilespmem:s25], [sflag:$0x2] =	stream.linear.gather @p0 [hbm4b:s28+s26], $0x320, $0x38;
	[tilespmem:$0x19E40] =	vst v63  }
0x88: {  	s25 =	simm.s32 @!p0 $0x4  }
0x89: {  	_ =	swait.ge @!p0 [sflag:s25], $0xC800  }
0x8a: {  	[sflag:s25] =	ssyncset.done @!p0 $0x0  }
0x8b: {  	s26 =	simm.s32 $0xCF80;
	[sflag:s25] =	ssyncadd.s32 @!p0 $0xFFFF3800;
	s25 =	simm.s32 $0x0  }
.LBB2_7:
0x8c: {  	v0 =	vld [tilespmem:s26+$0x100]  }
0x8d: {  	v1 =	vld [tilespmem:s26+$0x110]  }
0x8e: {  	v2 =	vld [tilespmem:s26+$0xC0]  }
0x8f: {  	v3 =	vld [tilespmem:s26+$0xD0]  }
0x90: {  	v9 =	vld [tilespmem:s26+$0x80]  }
0x91: {  	v12 =	vld [tilespmem:s26+$0x90]  }
0x92: {  	v6 =	vld [tilespmem:s26+$0x40]  }
0x93: {  	v8 =	vld [tilespmem:s26+$0x50]  }
0x94: {  	v5 =	vld [tilespmem:s26+$0x0]  }
0x95: {  	v7 =	vld [tilespmem:s26+$0x10]  }
0x96: {  	v4 =	vld [tilespmem:s26+$0xFFFFFFC0]  }
0x97: {  	v10 =	vld [tilespmem:s26+$0xFFFFFFD0]  }
0x98: {  	v11 =	vld [tilespmem:s26+$0xFFFFFF80]  }
0x99: {  	v13 =	vld [tilespmem:s26+$0xFFFFFF90]  }
0x9a: {  	v14 =	vld [tilespmem:s26+$0xFFFFFF40]  }
0x9b: {  	v15 =	vld [tilespmem:s26+$0xFFFFFF50]  }
0x9c: {  	v16 =	vld [tilespmem:s26+$0xFFFFFF00]  }
0x9d: {  	v17 =	vld [tilespmem:s26+$0xFFFFFF10]  }
0x9e: {  	v18 =	vld [tilespmem:s26+$0xFFFFFEC0]  }
0x9f: {  	v19 =	vld [tilespmem:s26+$0xFFFFFED0]  }
0xa0: {  	v20 =	vld [tilespmem:s26+$0xFFFFFEE0]  }
0xa1: {  	v21 =	vld [tilespmem:s26+$0xFFFFFEF0]  }
0xa2: {  	v22 =	vld [tilespmem:s26+$0xFFFFFF20]  }
0xa3: {  	v23 =	vld [tilespmem:s26+$0xFFFFFF30]  }
0xa4: {  	v24 =	vimm.f32 $0.0e+00;
	v25 =	vld [tilespmem:s26+$0xFFFFFF60]  }
0xa5: {  	v26 =	vld [tilespmem:s26+$0xFFFFFF70];
	v18 =	vadd.f32 v18, v24;
	v19 =	vadd.f32 v19, v24  }
0xa6: {  	v51 =	vld [tilespmem:s26+$0xFFFFFFA0];
	v20 =	vadd.f32 v20, v24;
	v21 =	vadd.f32 v21, v24  }
0xa7: {  	v52 =	vld [tilespmem:s26+$0xFFFFFFB0];
	v16 =	vadd.f32 v16, v18;
	v17 =	vadd.f32 v17, v19  }
0xa8: {  	v55 =	vld [tilespmem:s26+$0xFFFFFFE0];
	v53 =	vadd.f32 v22, v20;
	v54 =	vadd.f32 v23, v21  }
0xa9: {  	v56 =	vld [tilespmem:s26+$0xFFFFFFF0];
	v14 =	vadd.f32 v14, v16;
	v15 =	vadd.f32 v15, v17  }
0xaa: {  	v59 =	vld [tilespmem:s26+$0x20];
	v57 =	vadd.f32 v25, v53;
	v58 =	vadd.f32 v26, v54  }
0xab: {  	v11 =	vadd.f32 v11, v14;
	v13 =	vadd.f32 v13, v15;
	v14 =	vld [tilespmem:s26+$0x30]  }
0xac: {  	v61 =	vld [tilespmem:s26+$0x60];
	v15 =	vadd.f32 v51, v57;
	v60 =	vadd.f32 v52, v58  }
0xad: {  	v11 =	vadd.f32 v4, v11;
	v10 =	vadd.f32 v10, v13;
	v13 =	vld [tilespmem:s26+$0x70]  }
0xae: {  	v15 =	vadd.f32 v55, v15;
	v16 =	vadd.f32 v56, v60;
	v4 =	vld [tilespmem:s26+$0xA0]  }
0xaf: {  	v11 =	vadd.f32 v5, v11;
	v10 =	vadd.f32 v7, v10;
	v7 =	vld [tilespmem:s26+$0xB0]  }
0xb0: {  	v15 =	vadd.f32 v59, v15;
	v5 =	vld [tilespmem:s26+$0xE0];
	v14 =	vadd.f32 v14, v16  }
0xb1: {  	v62 =	vadd.f32 v6, v11;
	v63 =	vadd.f32 v8, v10;
	v8 =	vld [tilespmem:s26+$0xF0]  }
0xb2: {  	v11 =	vadd.f32 v61, v15;
	v6 =	vld [tilespmem:s26+$0x120];
	v10 =	vadd.f32 v13, v14  }
0xb3: {  	s28 =	simm.s32 $0x0;
	s29 =	sadd.s32 $0x280, s26;
	v13 =	vadd.f32 v9, v62;
	v12 =	vadd.f32 v12, v63;
	v9 =	vld [tilespmem:s26+$0x130]  }
.LBB2_8:
0xb4: {  	v14 =	vld [tilespmem:s29+$0x100];
	v4 =	vadd.f32 v4, v11;
	v7 =	vadd.f32 v7, v10  }
0xb5: {  	v10 =	vld [tilespmem:s29+$0x110];
	v11 =	vadd.f32 v2, v13;
	v12 =	vadd.f32 v3, v12  }
0xb6: {  	v2 =	vld [tilespmem:s29+$0xC0];
	v4 =	vadd.f32 v5, v4;
	v5 =	vadd.f32 v8, v7  }
0xb7: {  	v3 =	vld [tilespmem:s29+$0xD0];
	v7 =	vadd.f32 v0, v11;
	v8 =	vadd.f32 v1, v12  }
0xb8: {  	v12 =	vld [tilespmem:s29+$0x80];
	v4 =	vadd.f32 v6, v4;
	v5 =	vadd.f32 v9, v5  }
0xb9: {  	v9 =	vld [tilespmem:s29+$0x90];
	v0 =	vmov v14  }
0xba: {  	v6 =	vld [tilespmem:s29+$0x40];
	v1 =	vmov v10  }
0xbb: {  	v10 =	vld [tilespmem:s29+$0x50]  }
0xbc: {  	v11 =	vld [tilespmem:s29+$0x0]  }
0xbd: {  	v13 =	vld [tilespmem:s29+$0x10]  }
0xbe: {  	v14 =	vld [tilespmem:s29+$0xFFFFFFC0]  }
0xbf: {  	v15 =	vld [tilespmem:s29+$0xFFFFFFD0]  }
0xc0: {  	v16 =	vld [tilespmem:s29+$0xFFFFFF80]  }
0xc1: {  	v17 =	vld [tilespmem:s29+$0xFFFFFF90]  }
0xc2: {  	v18 =	vld [tilespmem:s29+$0xFFFFFF40]  }
0xc3: {  	v19 =	vld [tilespmem:s29+$0xFFFFFF50]  }
0xc4: {  	v20 =	vld [tilespmem:s29+$0xFFFFFF00]  }
0xc5: {  	v21 =	vld [tilespmem:s29+$0xFFFFFF10]  }
0xc6: {  	v22 =	vld [tilespmem:s29+$0xFFFFFEC0]  }
0xc7: {  	v23 =	vld [tilespmem:s29+$0xFFFFFED0]  }
0xc8: {  	v24 =	vld [tilespmem:s29+$0xFFFFFEE0]  }
0xc9: {  	s28 =	sadd.s32 $0xA, s28;
	v25 =	vld [tilespmem:s29+$0xFFFFFEF0]  }
0xca: {  	p0 =	slt.u32 s28, $0x28;
	v26 =	vld [tilespmem:s29+$0xFFFFFF20]  }
0xcb: {  	v27 =	vld [tilespmem:s29+$0xFFFFFF30]  }
0xcc: {  	v28 =	vld [tilespmem:s29+$0xFFFFFF60]  }
0xcd: {  	v7 =	vadd.f32 v22, v7;
	v8 =	vadd.f32 v23, v8;
	v22 =	vld [tilespmem:s29+$0xFFFFFF70]  }
0xce: {  	v4 =	vadd.f32 v24, v4;
	v5 =	vadd.f32 v25, v5;
	v23 =	vld [tilespmem:s29+$0xFFFFFFA0]  }
0xcf: {  	v7 =	vadd.f32 v20, v7;
	v8 =	vadd.f32 v21, v8;
	v20 =	vld [tilespmem:s29+$0xFFFFFFB0]  }
0xd0: {  	v4 =	vadd.f32 v26, v4;
	v5 =	vadd.f32 v27, v5;
	v21 =	vld [tilespmem:s29+$0xFFFFFFE0]  }
0xd1: {  	v7 =	vadd.f32 v18, v7;
	v8 =	vadd.f32 v19, v8;
	v18 =	vld [tilespmem:s29+$0xFFFFFFF0]  }
0xd2: {  	v4 =	vadd.f32 v28, v4;
	v5 =	vadd.f32 v22, v5;
	v19 =	vld [tilespmem:s29+$0x20]  }
0xd3: {  	v7 =	vadd.f32 v16, v7;
	v8 =	vadd.f32 v17, v8;
	v16 =	vld [tilespmem:s29+$0x30]  }
0xd4: {  	v4 =	vadd.f32 v23, v4;
	v5 =	vadd.f32 v20, v5;
	v17 =	vld [tilespmem:s29+$0x60]  }
0xd5: {  	v7 =	vadd.f32 v14, v7;
	v8 =	vadd.f32 v15, v8;
	v14 =	vld [tilespmem:s29+$0x70]  }
0xd6: {  	v15 =	vadd.f32 v21, v4;
	v5 =	vadd.f32 v18, v5;
	v4 =	vld [tilespmem:s29+$0xA0]  }
.Ltmp2:
0xd7: {  	v11 =	vadd.f32 v11, v7;
	v8 =	vadd.f32 v13, v8;
	v7 =	vld [tilespmem:s29+$0xB0];
	(pc) =	sbr.rel @p0 .LBB2_8-.Ltmp2, $4  }
0xd8: {  	v13 =	vadd.f32 v19, v15;
	v15 =	vadd.f32 v16, v5;
	v5 =	vld [tilespmem:s29+$0xE0]  }
0xd9: {  	v16 =	vadd.f32 v6, v11;
	v18 =	vadd.f32 v10, v8;
	v8 =	vld [tilespmem:s29+$0xF0]  }
0xda: {  	v11 =	vadd.f32 v17, v13;
	v10 =	vadd.f32 v14, v15;
	v6 =	vld [tilespmem:s29+$0x120]  }
0xdb: {  	v13 =	vadd.f32 v12, v16;
	v12 =	vadd.f32 v9, v18;
	v9 =	vld [tilespmem:s29+$0x130];
	s29 =	sadd.s32 $0x280, s29  }
0xdc: {  	_ = 	snop  }
0xdd: {  	v4 =	vadd.f32 v4, v11;
	v2 =	vadd.f32 v2, v13  }
0xde: {  	v7 =	vadd.f32 v7, v10;
	s28 =	sshll.u32 s25, $0x6;
	s25 =	sadd.s32 $0x1, s25;
	v3 =	vadd.f32 v3, v12  }
0xdf: {  	p0 =	sne.s32 s25, $0x10;
	v4 =	vadd.f32 v5, v4;
	v0 =	vadd.f32 v0, v2  }
.Ltmp3:
0xe0: {  	s28 =	sand.u32 $0x3FFFFFC0, s28;
	v61 =	vadd.f32 v8, v7;
	v1 =	vadd.f32 v1, v3;
	(pc) =	sbr.rel @p0 .LBB2_7-.Ltmp3, $4  }
0xe1: {  	v62 =	vadd.f32 v6, v4;
	[tilespmem:s28+$0x19A40] =	vst v0  }
0xe2: {  	v63 =	vadd.f32 v9, v61;
	[tilespmem:s28+$0x19A50] =	vst v1  }
0xe3: {  	[tilespmem:s28+$0x19A60] =	vst v62  }
0xe4: {  	s26 =	sadd.s32 $0xC80, s26;
	[tilespmem:s28+$0x19A70] =	vst v63  }
0xe5: {  	s24 =	sadd.s32 s24, s6  }
0xe6: {  	s24 =	sshll.u32 s24, $0x3  }
0xe7: {  	s23 =	sadd.s32 $0x1, s23;
	s24 =	sadd.s32 $0x80, s24  }
0xe8: {  	p0 =	sne.s32 s23, $0x10;
	s24 =	sand.u32 $0x1FFFFF80, s24  }
.Ltmp4:
0xe9: {  	s24 =	sadd.s32 s5, s24;
	(pc) =	sbr.rel @p0 .LBB2_2-.Ltmp4, $4  }
0xea: {  	[hbm4b:s24+s3] =	stream.linear.scatter [tilespmem:s21], [sflag:$0x5], $0x400, $0x38;
	[tilespmem:$0x19E40] =	vst v63  }
0xeb: {  	_ =	swait.ge [sflag:s20], $0x400  }
0xec: {  	[sflag:s20] =	ssyncset.done $0x0  }
0xed: {  	[sflag:s20] =	ssyncadd.s32 $0xFFFFFC00  }
0xee: {  	s22 =	sadd.s32 $0x1, s22  }
0xef: {  	p0 =	sne.s32 s22, s12  }
.Ltmp5:
0xf0: {  	_ = 	snop;
	(pc) =	sbr.rel @p0 .LBB2_1-.Ltmp5, $1  }
0xf1: {  	_ =	sdelay $0x3  }
0xf2: {  	_ =	sfence.sel $0x180000  }
0xf3: {  	[bflag:$0x0] =	sbarrier.arrive $0xFFFF  }
0xf4: {  	p0 =	sne.s32 s1, $0x0;
	_ =	strace $0x90000047  }
0xf5: {  	s0 =	sadd.s32 @!p0 $0x100000, s0;
	[bflag:$0x2] =	sbarrier.arrive $0xFFFF  }
0xf6: {  	[sflag:s0] =	ssyncadd.tile.s32 @!p0 $0x1;
	_ =	shalt  }
.Lfunc_end2:
_tile_overlayer_lowered:
.L_overlay_start_2:
0xf7: {  	(tag) =	ssettag $0x2  }
0xf8: {  	s0 =	rddreg [dreg:$0x0];
	s2 =	stileid.u32  }
0xf9: {  	s1 =	rddreg [dreg:$0x1];
	p0 =	sne.s32 s2, $0x0  }
0xfa: {  	s3 =	rddreg [dreg:$0x2];
	[bflag:$0x3] =	sbarrier.arrive $0xFFFF;
	s2 =	simm.s32 @!p0 $0x1C05  }
0xfb: {  	[timem:s3], [sflag:s2] =	dma.local @!p0 [hbm:s0], s1  }
0xfc: {  	s0 =	simm.s32 @!p0 $0x5  }
0xfd: {  	_ =	swait.ge @!p0 [sflag:s0], s1  }
0xfe: {  	s1 =	ssub.s32 @!p0 $0x0, s1;
	[sflag:s0] =	ssyncset.done @!p0 $0x0  }
0xff: {  	[sflag:s0] =	ssyncadd.s32 @!p0 s1  }
0x100: {  	[bflag:$0x3] =	sbarrier.arrive $0xFFFF  }
0x101: {  	_ =	shalt  }

// kernel: kernel.8.cloned.1.call-start
scs
__scs_entry_jumppad:
0x0: {  	(pc) =	sbr.rel $0x88, $3  }
0x1: {  	(tag) =	ssettag $0x0;
	lr =	simm.s32 $0x1  }
0x2: {  	[smem:$0x3F99] =	sst lr;
	_ =	strace $0xD0000000  }
0x3: {  	_ = 	snop  }
0x4: {  	_ = 	snop  }
0x5: {  	_ = 	snop  }
0x6: {  	_ = 	snop  }
0x7: {  	_ = 	snop  }
__scs_overlays_trampoline_lowered:
0x8: {  	[smem:$0x3FA8] =	sst s0  }
0x9: {  	[smem:$0x3FA9] =	sst s1  }
0xa: {  	[smem:$0x3FAA] =	sst s2  }
0xb: {  	[smem:$0x3FAB] =	sst s3  }
0xc: {  	[smem:$0x3FAC] =	sst s4  }
0xd: {  	[smem:$0x3FAD] =	sst s5  }
0xe: {  	[smem:$0x3FAE] =	sst s6  }
0xf: {  	[smem:$0x3FAF] =	sst s7  }
0x10: {  	[smem:$0x3FB0] =	sst s8  }
0x11: {  	[smem:$0x3FB1] =	sst s9;
	s0 =	simm.s32 @!p0 $0x0  }
0x12: {  	s1 =	sld [smem:$0x3F97];
	s0 =	simm.s32 @p0 $0x1  }
0x13: {  	[smem:$0x3FB2] =	sst s0;
	s0 =	simm.s32 @!p1 $0x0  }
0x14: {  	s2 =	sld [smem:$0x3F96];
	s0 =	simm.s32 @p1 $0x1  }
0x15: {  	[smem:$0x3FB3] =	sst s0;
	s0 =	simm.s32 @!p2 $0x0  }
0x16: {  	s3 =	sld [smem:$0x3FDB];
	s0 =	simm.s32 @p2 $0x1  }
0x17: {  	s4 =	simm.s32 $0x1BF5;
	[smem:$0x3FB5] =	sst s0  }
0x18: {  	s0 =	sld [smem:$0x3F98];
	_ =	swait.ge [sflag:s4], $0x0  }
0x19: {  	s7 =	sld [smem:$0x3F99]  }
0x1a: {  	s8 =	sadd.s32 $0xFFFFE003, lr  }
0x1b: {  	s9 =	sadd.s32 $0xFFFFFEF7, lr;
	s5 =	simm.s32 $0xFFFFFFFF;
	p2 =	slt.u32 s8, $0xFFFFF086  }
0x1c: {  	p1 =	slt.u32 s9, $0xF7A;
	s5 =	simm.s32 @!p2 $0x0  }
0x1d: {  	s5 =	simm.s32 @p1 $0x1;
	p0 =	seq.s32 s7, s2  }
0x1e: {  	s7 =	smul.u32 @!p0 $0xF7A, s2;
	p2 =	seq.s32 @!p0 s5, $0x0  }
0x1f: {  	s9 =	smul.u32 $0xF7A, s1;
	s8 =	simm.s32 @!p0 $0x1BF5;
	p2 =	por !p2, p0  }
0x20: {  	[sflag:s8] =	ssyncset.s32 @!p0 $0xFFFFF086;
	s6 =	sadd.s32 @!p0 s3, s7;
	s7 =	simm.s32 @!p0 $0x108  }
0x21: {  	s3 =	sadd.s32 s3, s9;
	s6 =	sadd.s32 @!p0 $0x88, s6;
	s7 =	simm.s32 @p2 $0x1082  }
0x22: {  	[simem:s7], [sflag:s8] =	dma.local @!p0 [hbm:s6], $0xF7A  }
0x23: {  	s9 =	sor.u32 $0xD0000000, s2;
	s6 =	simm.s32 $0x108;
	_ =	swait.ge @!p0 [sflag:s8], $0x0  }
0x24: {  	s3 =	sadd.s32 $0x88, s3;
	s6 =	simm.s32 @!p1 $0x1082;
	[sflag:s4] =	ssyncset.s32 $0xFFFFF086  }
0x25: {  	[simem:s6], [sflag:s4] =	dma.local [hbm:s3], $0xF7A  }
0x26: {  	[smem:$0x3F99] =	sst s1;
	(tag) =	ssettag s2;
	_ =	strace s9  }
0x27: {  	s1 =	sld [smem:$0x3FA9]  }
0x28: {  	s2 =	sld [smem:$0x3FAA]  }
0x29: {  	s4 =	sld [smem:$0x3FAC]  }
0x2a: {  	p0 =	seq.s32 s5, $0x0;
	s5 =	sld [smem:$0x3FAD]  }
0x2b: {  	s6 =	sld [smem:$0x3FAE]  }
0x2c: {  	s7 =	sld [smem:$0x3FAF]  }
0x2d: {  	s3 =	simm.s32 $0x108;
	s8 =	sld [smem:$0x3FB0]  }
0x2e: {  	s3 =	simm.s32 @!p0 $0x1082;
	s9 =	sld [smem:$0x3FB1]  }
0x2f: {  	lr =	sadd.s32 s0, s3;
	s0 =	sld [smem:$0x3FA8]  }
0x30: {  	s3 =	sld [smem:$0x3FAB]  }
0x31: {  	[smem:$0x3FB4] =	sst s10  }
0x32: {  	s10 =	sld [smem:$0x3FB2];
	_ =	sdelay $0x3  }
0x33: {  	p0 =	seq.s32 s10, $0x1;
	s10 =	sld [smem:$0x3FB4];
	_ =	sdelay $0x3  }
0x34: {  	[smem:$0x3FB4] =	sst s10  }
0x35: {  	s10 =	sld [smem:$0x3FB3];
	_ =	sdelay $0x3  }
0x36: {  	p1 =	seq.s32 s10, $0x1;
	s10 =	sld [smem:$0x3FB4];
	_ =	sdelay $0x3  }
0x37: {  	[smem:$0x3FB4] =	sst s10  }
0x38: {  	s10 =	sld [smem:$0x3FB5]  }
0x39: {  	_ = 	snop;
	(pc) =	sbr.ind lr, $3  }
0x3a: {  	_ = 	snop  }
0x3b: {  	_ = 	snop  }
0x3c: {  	p2 =	seq.s32 s10, $0x1;
	s10 =	sld [smem:$0x3FB4]  }
0x3d: {  	_ =	shalt  }
0x3e: {  	_ =	shalt  }
0x3f: {  	_ =	shalt  }
0x40: {  	_ =	shalt  }
0x41: {  	_ =	shalt  }
0x42: {  	_ =	shalt  }
0x43: {  	_ =	shalt  }
0x44: {  	_ =	shalt  }
0x45: {  	_ =	shalt  }
0x46: {  	_ =	shalt  }
0x47: {  	_ =	shalt  }
0x48: {  	_ =	shalt  }
0x49: {  	_ =	shalt  }
0x4a: {  	_ =	shalt  }
0x4b: {  	_ =	shalt  }
0x4c: {  	_ =	shalt  }
0x4d: {  	_ =	shalt  }
0x4e: {  	_ =	shalt  }
0x4f: {  	_ =	shalt  }
0x50: {  	_ =	shalt  }
0x51: {  	_ =	shalt  }
0x52: {  	_ =	shalt  }
0x53: {  	_ =	shalt  }
0x54: {  	_ =	shalt  }
0x55: {  	_ =	shalt  }
0x56: {  	_ =	shalt  }
0x57: {  	_ =	shalt  }
0x58: {  	_ =	shalt  }
0x59: {  	_ =	shalt  }
0x5a: {  	_ =	shalt  }
0x5b: {  	_ =	shalt  }
0x5c: {  	_ =	shalt  }
0x5d: {  	_ =	shalt  }
0x5e: {  	_ =	shalt  }
0x5f: {  	_ =	shalt  }
0x60: {  	_ =	shalt  }
0x61: {  	_ =	shalt  }
0x62: {  	_ =	shalt  }
0x63: {  	_ =	shalt  }
0x64: {  	_ =	shalt  }
0x65: {  	_ =	shalt  }
0x66: {  	_ =	shalt  }
0x67: {  	_ =	shalt  }
0x68: {  	_ =	shalt  }
0x69: {  	_ =	shalt  }
0x6a: {  	_ =	shalt  }
0x6b: {  	_ =	shalt  }
0x6c: {  	_ =	shalt  }
0x6d: {  	_ =	shalt  }
0x6e: {  	_ =	shalt  }
0x6f: {  	_ =	shalt  }
0x70: {  	_ =	shalt  }
0x71: {  	_ =	shalt  }
0x72: {  	_ =	shalt  }
0x73: {  	_ =	shalt  }
0x74: {  	_ =	shalt  }
0x75: {  	_ =	shalt  }
0x76: {  	_ =	shalt  }
0x77: {  	_ =	shalt  }
0x78: {  	_ =	shalt  }
0x79: {  	_ =	shalt  }
0x7a: {  	_ =	shalt  }
0x7b: {  	_ =	shalt  }
0x7c: {  	_ =	shalt  }
0x7d: {  	_ =	shalt  }
0x7e: {  	_ =	shalt  }
0x7f: {  	_ =	shalt  }
0x80: {  	_ =	shalt  }
0x81: {  	_ =	shalt  }
0x82: {  	_ =	shalt  }
0x83: {  	_ =	shalt  }
0x84: {  	_ =	shalt  }
0x85: {  	_ =	shalt  }
0x86: {  	_ =	shalt  }
0x87: {  	_ =	shalt  }
.Lfunc_end0:
.L_simem_size_0:
called_computation.1_lowered:
.L_overlay_start_0:
0x88: {  	s2 =	sld [smem:$0x3FD9]  }
0x89: {  	s3 =	sld [smem:$0x3FFE];
	_ =	sdelay $0x1  }
0x8a: {  	s1 =	srdreg.scid  }
0x8b: {  	s0 =	sand.u32 $0x1, s1  }
0x8c: {  	s17 =	sshll.u32 s0, $0xA;
	s2 =	sadd.s32 s3, s2  }
0x8d: {  	s2 =	sadd.s32 s2, s17  }
0x8e: {  	[smem:$0x3FC0] =	sst s2  }
0x8f: {  	_ = 	snop  }
0x90: {  	s2 =	sld [smem:$0x3FC8]  }
0x91: {  	s18 =	sld [smem:$0x3FC7]  }
0x92: {  	s4 =	sld [smem:$0x3FD0];
	(tm) =	ssettm $0x1  }
0x93: {  	s5 =	sld [smem:$0x3FFB];
	_ =	sdelay $0x3  }
0x94: {  	_ =	strace s5  }
0x95: {  	s5 =	sld [smem:$0x3FFC];
	_ =	sdelay $0x3  }
0x96: {  	_ =	strace s5  }
0x97: {  	s5 =	sld [smem:$0x3FFD];
	_ =	sdelay $0x3  }
0x98: {  	_ =	strace s5  }
0x99: {  	_ =	strace $0x8FFFFFFF  }
0x9a: {  	s19 =	sld [smem:$0x3FDB];
	_ =	sdelay $0x1  }
0x9b: {  	s6 =	simm.s32 $_scs_section_size  }
0x9c: {  	s7 =	simm.s32 $_size__tile_overlayer_lowered;
	s8 =	simm.s32 $_tile_overlayer_lowered  }
0x9d: {  	s22 =	simm.s32 $0x1BFF;
	s21 =	sshll.u32 s8, $0x1;
	s5 =	sadd.s32 s6, s19  }
0x9e: {  	s9 =	simm.s32 $0x0;
	s20 =	sshll.u32 s7, $0x1;
	s7 =	sadd.s32 s21, s5  }
0x9f: {  	[timem:s9], [sflag:s22] =	dma.local [hbm:s7], s20  }
0xa0: {  	_ =	swait.ge [sflag:s22], s20  }
0xa1: {  	s6 =	ssub.s32 $0x0, s20;
	[sflag:s22] =	ssyncset.done $0x0  }
0xa2: {  	[sflag:s22] =	ssyncadd.s32 s6;
	_ =	sdelay $0x1  }
0xa3: {  	s23 =	simm.s32 $0x1B8B  }
0xa4: {  	_ =	swait.ge [sflag:s23], $0x1  }
0xa5: {  	[sflag:s23] =	ssyncset.done $0x0  }
0xa6: {  	s25 =	simm.s32 $0x1B8E;
	s24 =	sld [smem:$0x3FFE];
	[sflag:s23] =	ssyncadd.s32 $0xFFFFFFFF  }
0xa7: {  	s26 =	simm.s32 $execute0_lowered;
	[smem:$0x3FD2] =	sst s25  }
0xa8: {  	s7 =	sshll.u32 s26, $0x1;
	_ =	strace $0x80000049;
	[dreg:$0x1] =	wrdreg $0xFFFFFFFF  }
0xa9: {  	s28 =	simm.s32 $_size_execute0_lowered;
	s5 =	sadd.s32 s5, s7;
	[dreg:$0x0] =	wrdreg $0x0  }
0xaa: {  	s7 =	sshll.u32 s28, $0x1;
	[dreg:$0x2] =	wrdreg s5  }
0xab: {  	[dreg:$0x3] =	wrdreg s7  }
0xac: {  	[dreg:$0x4] =	wrdreg $0xC0  }
0xad: {  	_ =	task [dreg:s9], $0x5FFFF  }
0xae: {  	[dreg:$0x1] =	wrdreg $0xFFFFFFFF  }
0xaf: {  	[dreg:$0x0] =	wrdreg $0x60  }
0xb0: {  	[dreg:$0x2] =	wrdreg s2  }
0xb1: {  	[dreg:$0x3] =	wrdreg s18  }
0xb2: {  	[dreg:$0x4] =	wrdreg s24  }
0xb3: {  	[dreg:$0x5] =	wrdreg s4  }
0xb4: {  	[dreg:$0x6] =	wrdreg $0x9  }
0xb5: {  	_ =	task.clear_ibuf [dreg:s9], $0x7FFFF;
	_ =	strace $0x90000049  }
0xb6: {  	s29 =	simm.s32 $0x9;
	_ =	strace $0x8000004B  }
0xb7: {  	_ =	swait.ge [sflag:s29], $0x1  }
0xb8: {  	[sflag:s29] =	ssyncadd.s32 $0xFFFFFFFF  }
0xb9: {  	_ =	strace $0x9000004B  }
0xba: {  	_ =	sfence  }
0xbb: {  	s30 =	sld [smem:$0x0];
	_ =	sdelay $0x2  }
0xbc: {  	s31 =	sshll.u32 s1, $0xD;
	s1 =	sshrl.u32 s1, $0x2  }
0xbd: {  	s3 =	sand.u32 $0x4000, s31;
	s1 =	sadd.s32 s1, s30  }
0xbe: {  	s0 =	sor.u32 s3, s0;
	s1 =	sshll.u32 s1, $0x11  }
0xbf: {  	s0 =	sor.u32 s1, s0  }
0xc0: {  	s0 =	sadd.s32 $0x8F2B, s0  }
0xc1: {  	[sflag:s0] =	ssyncadd.remote.s32 $0x1  }
0xc2: {  	_ =	sfence.sel $0xFFFF  }
0xc3: {  	[dreg:$0x0] =	wrdreg $0xFFFFFFFF;
	(pc) =	sbr.abs _section_cstart, $3  }
0xc4: {  	[dreg:$0x1] =	wrdreg $0xFFFFFFFF  }
0xc5: {  	_ =	task.clear_ibuf [dreg:s9], $0x2FFFF;
	_ =	strace $0x9FFFFFFF  }
0xc6: {  	(tm) =	ssettm $0x7FFFFFFF  }
0xc7: {  	_ =	shalt  }
tec
execute0_lowered:
.L_overlay_start_1:
0x0: {  	(tag) =	ssettag $0x1  }
0x1: {  	s3 =	rddreg [dreg:$0x0];
	s1 =	srdreg.scid  }
0x2: {  	s4 =	rddreg [dreg:$0x1];
	s0 =	stileid.u32;
	s12 =	sand.u32 $0x1, s1  }
0x3: {  	s14 =	rddreg [dreg:$0x2];
	s5 =	sshll.u32 s0, $0xA;
	s6 =	sshll.u32 s12, $0x9  }
0x4: {  	s13 =	rddreg [dreg:$0x3];
	s2 =	simm.s32 $0x0;
	s15 =	sor.u32 s6, s5  }
0x5: {  	[smem:$0x7FF] =	sst s2;
	s5 =	sshrl.u32 s15, $0x3  }
0x6: {  	s1 =	rddreg [dreg:$0x4];
	_ =	strace $0x8000004A;
	s3 =	sadd.s32 s3, s5  }
0x7: {  	[tilespmem:s2], [sflag:$0x1] =	stream.linear.gather [hbm4b:s3+s2], $0x200, $0x38;
	[tilespmem:$0x10400] =	vst v63  }
0x8: {  	s6 =	simm.s32 $0x1;
	s4 =	sadd.s32 s4, s5;
	s5 =	simm.s32 $0x200  }
0x9: {  	[tilespmem:s5], [sflag:$0x1] =	stream.linear.gather [hbm4b:s4+s2], $0x200, $0x38;
	[tilespmem:$0x10400] =	vst v63  }
0xa: {  	_ =	swait.ge [sflag:s6], $0x200  }
0xb: {  	[sflag:s6] =	ssyncset.done $0x0  }
0xc: {  	[sflag:s6] =	ssyncadd.s32 $0xFFFFFE00  }
0xd: {  	_ =	swait.ge [sflag:s6], $0x200  }
0xe: {  	[sflag:s6] =	ssyncset.done $0x0  }
0xf: {  	s8 =	simm.s32 $0x400;
	s7 =	sadd.s32 $0x126A00, s14;
	[sflag:s6] =	ssyncadd.s32 $0xFFFFFE00  }
0x10: {  	[tilespmem:s8], [sflag:$0x2] =	stream.indirect.gather [hbm4b:s7+s5], $0x40, s2, s5, $0xb8;
	[tilespmem:$0x10400] =	vst v63  }
0x11: {  	s10 =	simm.s32 $0x8400;
	s11 =	simm.s32 $0x2;
	s9 =	sadd.s32 $0x63400, s14  }
0x12: {  	[tilespmem:s10], [sflag:$0x2] =	stream.indirect.gather [hbm4b:s9+s5], $0x40, s5, s5, $0xb8;
	[tilespmem:$0x10400] =	vst v63  }
0x13: {  	_ =	swait.ge [sflag:s11], $0x8000  }
0x14: {  	[sflag:s11] =	ssyncset.done $0x0  }
0x15: {  	s16 =	ssub.s32 $0x2, s12;
	s12 =	simm.s32 $0x3;
	[sflag:s11] =	ssyncadd.s32 $0xFFFF8000  }
0x16: {  	s17 =	sshrl.u32 s16, $0x1;
	s15 =	sshll.u32 s15, $0x3;
	_ =	swait.ge [sflag:s11], $0x8000  }
0x17: {  	s31 =	ssub.s32 s16, s17;
	s13 =	sadd.s32 s13, s15;
	[sflag:s11] =	ssyncset.done $0x0  }
0x18: {  	s14 =	sadd.s32 s15, s14;
	s15 =	smax.u32 s31, $0x1;
	[sflag:s11] =	ssyncadd.s32 $0xFFFF8000  }
0x19: {  	[hbm4b:s13+s2] =	stream.linear.scatter [tilespmem:s8], [sflag:$0x3], $0x8000, $0x38;
	[tilespmem:$0x10400] =	vst v63  }
0x1a: {  	p0 =	sne.s32 s15, $0x1;
	_ =	swait.ge [sflag:s12], $0x8000  }
.Ltmp0:
0x1b: {  	[sflag:s12] =	ssyncset.done $0x0;
	(pc) =	sbr.rel @!p0 .LBB2_2-.Ltmp0, $4  }
0x1c: {  	s14 =	sadd.s32 $0x126E00, s14;
	[sflag:s12] =	ssyncadd.s32 $0xFFFF8000  }
0x1d: {  	[hbm4b:s14+s2] =	stream.linear.scatter [tilespmem:s10], [sflag:$0x3], $0x8000, $0x38;
	[tilespmem:$0x10400] =	vst v63  }
0x1e: {  	_ =	swait.ge [sflag:s12], $0x8000  }
0x1f: {  	s15 =	sadd.s32 $0xFFFFFFFF, s15;
	[sflag:s12] =	ssyncset.done $0x0  }
.LBB2_1:
0x20: {  	p0 =	sne.s32 s15, $0x1;
	s15 =	sadd.s32 $0xFFFFFFFF, s15;
	[sflag:s12] =	ssyncadd.s32 $0xFFFF8000  }
0x21: {  	[tilespmem:s2], [sflag:$0x1] =	stream.linear.gather [hbm4b:s3+s2], $0x200, $0x38;
	[tilespmem:$0x10400] =	vst v63  }
0x22: {  	_ = 	snop  }
0x23: {  	[tilespmem:s5], [sflag:$0x1] =	stream.linear.gather [hbm4b:s4+s2], $0x200, $0x38;
	[tilespmem:$0x10400] =	vst v63  }
0x24: {  	_ =	swait.ge [sflag:s6], $0x200  }
0x25: {  	[sflag:s6] =	ssyncset.done $0x0  }
0x26: {  	[sflag:s6] =	ssyncadd.s32 $0xFFFFFE00  }
0x27: {  	_ =	swait.ge [sflag:s6], $0x200  }
0x28: {  	[sflag:s6] =	ssyncset.done $0x0  }
0x29: {  	[sflag:s6] =	ssyncadd.s32 $0xFFFFFE00  }
0x2a: {  	[tilespmem:s8], [sflag:$0x2] =	stream.indirect.gather [hbm4b:s7+s5], $0x40, s2, s5, $0xb8;
	[tilespmem:$0x10400] =	vst v63  }
0x2b: {  	_ = 	snop  }
0x2c: {  	[tilespmem:s10], [sflag:$0x2] =	stream.indirect.gather [hbm4b:s9+s5], $0x40, s5, s5, $0xb8;
	[tilespmem:$0x10400] =	vst v63  }
0x2d: {  	_ =	swait.ge [sflag:s11], $0x8000  }
0x2e: {  	[sflag:s11] =	ssyncset.done $0x0  }
0x2f: {  	[sflag:s11] =	ssyncadd.s32 $0xFFFF8000  }
0x30: {  	_ =	swait.ge [sflag:s11], $0x8000  }
0x31: {  	[sflag:s11] =	ssyncset.done $0x0  }
0x32: {  	[sflag:s11] =	ssyncadd.s32 $0xFFFF8000  }
0x33: {  	[hbm4b:s13+s2] =	stream.linear.scatter [tilespmem:s8], [sflag:$0x3], $0x8000, $0x38;
	[tilespmem:$0x10400] =	vst v63  }
0x34: {  	_ =	swait.ge [sflag:s12], $0x8000  }
.Ltmp1:
0x35: {  	[sflag:s12] =	ssyncset.done $0x0;
	(pc) =	sbr.rel @p0 .LBB2_1-.Ltmp1, $4  }
0x36: {  	[sflag:s12] =	ssyncadd.s32 $0xFFFF8000  }
0x37: {  	[hbm4b:s14+s2] =	stream.linear.scatter [tilespmem:s10], [sflag:$0x3], $0x8000, $0x38;
	[tilespmem:$0x10400] =	vst v63  }
0x38: {  	_ =	swait.ge [sflag:s12], $0x8000  }
0x39: {  	[sflag:s12] =	ssyncset.done $0x0  }
.LBB2_2:
0x3a: {  	[sflag:s12] =	ssyncadd.s32 $0xFFFF8000  }
0x3b: {  	_ =	sfence.sel $0x180000  }
0x3c: {  	[bflag:$0x0] =	sbarrier.arrive $0xFFFF  }
0x3d: {  	p0 =	sne.s32 s0, $0x0;
	_ =	strace $0x9000004A  }
0x3e: {  	s0 =	sadd.s32 @!p0 $0x100000, s1;
	[bflag:$0x2] =	sbarrier.arrive $0xFFFF  }
0x3f: {  	[sflag:s0] =	ssyncadd.tile.s32 @!p0 $0x1;
	_ =	shalt  }
.Lfunc_end2:
_tile_overlayer_lowered:
.L_overlay_start_2:
0x40: {  	(tag) =	ssettag $0x2  }
0x41: {  	s0 =	rddreg [dreg:$0x0];
	s2 =	stileid.u32  }
0x42: {  	s1 =	rddreg [dreg:$0x1];
	p0 =	sne.s32 s2, $0x0  }
0x43: {  	s3 =	rddreg [dreg:$0x2];
	[bflag:$0x3] =	sbarrier.arrive $0xFFFF;
	s2 =	simm.s32 @!p0 $0x1C03  }
0x44: {  	[timem:s3], [sflag:s2] =	dma.local @!p0 [hbm:s0], s1  }
0x45: {  	s0 =	simm.s32 @!p0 $0x3  }
0x46: {  	_ =	swait.ge @!p0 [sflag:s0], s1  }
0x47: {  	s1 =	ssub.s32 @!p0 $0x0, s1;
	[sflag:s0] =	ssyncset.done @!p0 $0x0  }
0x48: {  	[sflag:s0] =	ssyncadd.s32 @!p0 s1  }
0x49: {  	[bflag:$0x3] =	sbarrier.arrive $0xFFFF  }
0x4a: {  	_ =	shalt  }

</sc_bundles>
